<compile_context>
chip_gen: v7x
topology: tpu7x:2x2x1
jax: 0.10.2.dev20260603
libtpu: 0.0.44.dev20260713+nightly
codegen_flags: <defaults>
</compile_context>

<pallas_src>
import functools

import jax
import jax.numpy as jnp
from jax import lax
from jax.experimental import pallas as pl
from jax.experimental.pallas import tpu as pltpu
from jax.experimental.pallas import tpu_sc as plsc

B = 8192
D = 1024
R = 256
K = 8192
BETA = 0.25

BB_ENC = 1024
BB = 1024
KC = 1024
LG = 128
BB_DEC = 1024

_NC, _NS = 2, 16
_NW = _NC * _NS
_BPW = B // _NW


def _encode_body(x_ref, wt_ref, z_ref):
    z_ref[...] = jnp.dot(x_ref[...].astype(jnp.bfloat16), wt_ref[...],
                         preferred_element_type=jnp.float32)


def _assign_body(z_ref, z2_ref, c2_ref, ct_ref, idx_ref):
    zb2 = z_ref[...].astype(jnp.bfloat16) * jnp.bfloat16(2.0)
    z2 = z2_ref[...]

    def chunk_step(j, carry):
        run_m, run_p = carry
        zc2 = jnp.dot(zb2, ct_ref[:, pl.ds(j * KC, KC)],
                      preferred_element_type=jnp.float32)
        for t in range(KC // LG):
            p = j * (KC // LG) + t
            c2s = c2_ref[:, pl.ds(j * KC + t * LG, LG)]
            s = (z2 + c2s) - zc2[:, t * LG:(t + 1) * LG]
            upd = s < run_m
            run_m = jnp.where(upd, s, run_m)
            run_p = jnp.where(upd, p, run_p)
        return run_m, run_p

    run_m = jnp.full((BB, LG), jnp.inf, dtype=jnp.float32)
    run_p = jnp.zeros((BB, LG), dtype=jnp.int32)
    run_m, run_p = lax.fori_loop(0, K // KC, chunk_step, (run_m, run_p))
    lane = lax.broadcasted_iota(jnp.int32, (BB, LG), 1)
    gg = run_p * LG + lane
    mrow = jnp.min(run_m, axis=1)
    idx_ref[...] = jnp.min(jnp.where(run_m == mrow[:, None], gg, K), axis=1)


def _decode_body(x_ref, z_ref, q_ref, wb_ref, pr_ref, pe_ref):
    z = z_ref[...]
    q = q_ref[...]
    zhat = z + (q - z)
    xh = jnp.dot(zhat.astype(jnp.bfloat16), wb_ref[...],
                 preferred_element_type=jnp.float32)
    dr = xh - x_ref[...]
    eq = q - z
    pr_ref[...] = jnp.broadcast_to(jnp.sum(dr * dr), (1, 1, 128))
    pe_ref[...] = jnp.broadcast_to(jnp.sum(eq * eq), (1, 1, 128))


def _encode(x, wtb):
    return pl.pallas_call(
        _encode_body,
        grid=(B // BB_ENC,),
        in_specs=[
            pl.BlockSpec((BB_ENC, D), lambda i: (i, 0)),
            pl.BlockSpec((D, R), lambda i: (0, 0)),
        ],
        out_specs=pl.BlockSpec((BB_ENC, R), lambda i: (i, 0)),
        out_shape=jax.ShapeDtypeStruct((B, R), jnp.float32),
    )(x, wtb)


def _assign(z, z2, c2, ctb):
    return pl.pallas_call(
        _assign_body,
        grid=(B // BB,),
        in_specs=[
            pl.BlockSpec((BB, R), lambda i: (i, 0)),
            pl.BlockSpec((BB, 1), lambda i: (i, 0)),
            pl.BlockSpec((1, K), lambda i: (0, 0)),
            pl.BlockSpec((R, K), lambda i: (0, 0)),
        ],
        out_specs=pl.BlockSpec((BB,), lambda i: (i,)),
        out_shape=jax.ShapeDtypeStruct((B,), jnp.int32),
    )(z, z2, c2, ctb)


def _gather_q(code, idx):
    mesh = plsc.VectorSubcoreMesh(core_axis_name="c", subcore_axis_name="s",
                                  num_cores=_NC, num_subcores=_NS)

    @functools.partial(
        pl.kernel,
        out_type=jax.ShapeDtypeStruct((B, R), jnp.float32),
        mesh=mesh,
        scratch_types=[
            pltpu.VMEM((2, _BPW // 2), jnp.int32),
            pltpu.VMEM((2, _BPW // 2, R), jnp.float32),
            pltpu.SemaphoreType.DMA,
            pltpu.SemaphoreType.DMA,
        ],
    )
    def gather_kernel(code_hbm, idx_hbm, out_hbm, idx_v, rows_v, s0, s1):
        wid = lax.axis_index("s") * _NC + lax.axis_index("c")
        base = wid * _BPW
        h = _BPW // 2
        pltpu.sync_copy(idx_hbm.at[pl.ds(base, h)], idx_v.at[0])
        c0 = pltpu.async_copy(code_hbm.at[idx_v.at[0]], rows_v.at[0], s0)
        pltpu.sync_copy(idx_hbm.at[pl.ds(base + h, h)], idx_v.at[1])
        c1 = pltpu.async_copy(code_hbm.at[idx_v.at[1]], rows_v.at[1], s1)
        c0.wait()
        pltpu.sync_copy(rows_v.at[0], out_hbm.at[pl.ds(base, h)])
        c1.wait()
        pltpu.sync_copy(rows_v.at[1], out_hbm.at[pl.ds(base + h, h)])

    return gather_kernel(code, idx)


def _decode(x, z, q, wb):
    nblk = B // BB_DEC
    return pl.pallas_call(
        _decode_body,
        grid=(nblk,),
        in_specs=[
            pl.BlockSpec((BB_DEC, D), lambda i: (i, 0)),
            pl.BlockSpec((BB_DEC, R), lambda i: (i, 0)),
            pl.BlockSpec((BB_DEC, R), lambda i: (i, 0)),
            pl.BlockSpec((R, D), lambda i: (0, 0)),
        ],
        out_specs=[
            pl.BlockSpec((1, 1, 128), lambda i: (i, 0, 0)),
            pl.BlockSpec((1, 1, 128), lambda i: (i, 0, 0)),
        ],
        out_shape=[
            jax.ShapeDtypeStruct((nblk, 1, 128), jnp.float32),
            jax.ShapeDtypeStruct((nblk, 1, 128), jnp.float32),
        ],
    )(x, z, q, wb)


def kernel(x, W, code):
    wb = W.astype(jnp.bfloat16)
    wtb = wb.T
    ctb = code.astype(jnp.bfloat16).T
    c2 = (code ** 2).sum(axis=1)[None, :]

    z = _encode(x, wtb)
    z2 = (z ** 2).sum(axis=1, keepdims=True)

    idx = _assign(z, z2, c2, ctb)
    q = _gather_q(code, idx)
    pr, pe = _decode(x, z, q, wb)

    rec = pr[:, 0, 0].sum() / (B * D)
    e = pe[:, 0, 0].sum() / (B * R)
    loss = (rec + e) + BETA * e
    return (loss, rec, z, q, idx)

# --- scband reference (transcript-rebuilt; emitter-appended) ---
"""Pipeline reference for scband-linear-vq-26938034881021 (READ-ONLY COPY).

The authoritative reference and input builder live on the scoring server;
editing this copy changes nothing except your own understanding.
"""

import jax, jax.numpy as jnp
import numpy as np

B = 8192
D = 1024
R = 256
K = 8192
BETA = 0.25


def setup_inputs(seed: int = 0) -> dict:
    key = jax.random.key(seed)
    k1, k2, k3 = jax.random.split(key, 3)
    x = jax.random.normal(k1, (B, D), dtype=jnp.float32)
    W = jax.random.normal(k2, (R, D), dtype=jnp.float32) / np.sqrt(D)
    code = jax.random.normal(k3, (K, R), dtype=jnp.float32) * 0.1
    return {"x": x, "W": W, "code": code}


def reference(x, W, code):
    # encode: F.linear(x, W) -> x @ W.T
    z = x @ W.T
    # assign: squared L2 distances to codebook entries
    d2 = (z ** 2).sum(axis=1, keepdims=True) + (code ** 2).sum(axis=1)[None, :] - 2.0 * (z @ code.T)
    idx = jnp.argmin(d2, axis=1)
    q = jnp.take(code, idx, axis=0)
    # straight-through estimator
    zhat = z + jax.lax.stop_gradient(q - z)
    # decode: F.linear(zhat, W.t()) -> zhat @ W
    x_hat = zhat @ W
    rec = jnp.mean((x_hat - x) ** 2)
    codebook_loss = jnp.mean((q - jax.lax.stop_gradient(z)) ** 2)
    commit = jnp.mean((z - jax.lax.stop_gradient(q)) ** 2)
    loss = rec + codebook_loss + BETA * commit
    return (loss, rec, z, q, idx)

if __name__ == "__main__":
    import jax
    _d = setup_inputs()
    print(jax.jit(kernel)(*tuple(_d.values())))

</pallas_src>

<mosaic_0001>
#map = affine_map<(d0, d1) -> (0, 0)>
#map1 = affine_map<(d0, d1) -> (0)>
module attributes {stable_mosaic.version = 14 : i64} {
  func.func @gather_kernel(%arg0: i32, %arg1: i32, %arg2: memref<8192x256xf32, #tpu.memory_space<hbm>>, %arg3: memref<8192xi32, #tpu.memory_space<hbm>>, %arg4: memref<8192x256xf32, #tpu.memory_space<hbm>>, %arg5: memref<2x128xi32, #tpu.memory_space<vmem>>, %arg6: memref<2x128x256xf32, #tpu.memory_space<vmem>>, %arg7: memref<!tpu.dma_semaphore, #tpu.memory_space<semaphore_mem>>, %arg8: memref<!tpu.dma_semaphore, #tpu.memory_space<semaphore_mem>>) attributes {dimension_semantics = [#tpu.dimension_semantics<core_parallel>, #tpu.dimension_semantics<subcore_parallel>], iteration_bounds = array<i64: 2, 16>, scalar_prefetch = 0 : i64, scratch_operands = 4 : i64, tpu.core_type = #tpu.core_type<sc_vector_subcore>, window_params = [{transform_indices = #map}, {transform_indices = #map1}, {transform_indices = #map}]} {
    %mul3A = arith.constant 2 : i32
    %mul3A_0 = arith.muli %arg1, %mul3A : i32
    %add3A = arith.addi %mul3A_0, %arg0 : i32
    %mul3A_1 = arith.constant 256 : i32
    %mul3A_2 = arith.muli %add3A, %mul3A_1 : i32
    %run_scoped3A = arith.constant 0 : i32
    "tpu.region"() ({
      %run_scoped3A_56 = tpu.sem_alloc : memref<!tpu.dma_semaphore, #tpu.memory_space<semaphore_mem>>
      %dma_start3A_57 = arith.constant 0 : i32
      %dma_start3A_58 = tpu.memref_slice %arg5[%run_scoped3A, %dma_start3A_57] : memref<2x128xi32, #tpu.memory_space<vmem>> -> memref<1x128xi32, #tpu.memory_space<vmem>>
      %dma_start3A_59 = tpu.memref_squeeze %dma_start3A_58 : memref<1x128xi32, #tpu.memory_space<vmem>> -> memref<128xi32, #tpu.memory_space<vmem>>
      %dma_start3A_60 = tpu.memref_slice %arg3[%mul3A_2] : memref<8192xi32, #tpu.memory_space<hbm>> -> memref<128xi32, #tpu.memory_space<hbm>>
      %dma_start3A_61 = arith.constant 0 : i32
      %dma_start3A_62 = tpu.memref_slice %arg5[%run_scoped3A, %dma_start3A_61] : memref<2x128xi32, #tpu.memory_space<vmem>> -> memref<1x128xi32, #tpu.memory_space<vmem>>
      %dma_start3A_63 = tpu.memref_squeeze %dma_start3A_62 : memref<1x128xi32, #tpu.memory_space<vmem>> -> memref<128xi32, #tpu.memory_space<vmem>>
      %dma_start3A_64 = tpu.memref_slice %arg3[%mul3A_2] : memref<8192xi32, #tpu.memory_space<hbm>> -> memref<128xi32, #tpu.memory_space<hbm>>
      tpu.enqueue_dma source(%dma_start3A_64 : memref<128xi32, #tpu.memory_space<hbm>>) target(%dma_start3A_63 : memref<128xi32, #tpu.memory_space<vmem>>) target_semaphore(%run_scoped3A_56 : memref<!tpu.dma_semaphore, #tpu.memory_space<semaphore_mem>>)
      %dma_wait3A_65 = arith.constant 0 : i32
      %dma_wait3A_66 = tpu.memref_slice %arg5[%run_scoped3A, %dma_wait3A_65] : memref<2x128xi32, #tpu.memory_space<vmem>> -> memref<1x128xi32, #tpu.memory_space<vmem>>
      %dma_wait3A_67 = tpu.memref_squeeze %dma_wait3A_66 : memref<1x128xi32, #tpu.memory_space<vmem>> -> memref<128xi32, #tpu.memory_space<vmem>>
      %dma_wait3A_68 = tpu.memref_slice %arg3[%mul3A_2] : memref<8192xi32, #tpu.memory_space<hbm>> -> memref<128xi32, #tpu.memory_space<hbm>>
      %dma_wait3A_69 = arith.constant 0 : i32
      %dma_wait3A_70 = tpu.memref_slice %arg5[%run_scoped3A, %dma_wait3A_69] : memref<2x128xi32, #tpu.memory_space<vmem>> -> memref<1x128xi32, #tpu.memory_space<vmem>>
      %dma_wait3A_71 = tpu.memref_squeeze %dma_wait3A_70 : memref<1x128xi32, #tpu.memory_space<vmem>> -> memref<128xi32, #tpu.memory_space<vmem>>
      %dma_wait3A_72 = tpu.memref_slice %arg3[%mul3A_2] : memref<8192xi32, #tpu.memory_space<hbm>> -> memref<128xi32, #tpu.memory_space<hbm>>
      tpu.wait_dma2 semaphore(%run_scoped3A_56 : memref<!tpu.dma_semaphore, #tpu.memory_space<semaphore_mem>>) src(%dma_wait3A_72 : memref<128xi32, #tpu.memory_space<hbm>>) dst(%dma_wait3A_71 : memref<128xi32, #tpu.memory_space<vmem>>)
      tpu.yield
    }) : () -> ()
    %dma_start3A = arith.constant 0 : i32
    %dma_start3A_3 = arith.constant 0 : i32
    %dma_start3A_4 = arith.constant 0 : i32
    %dma_start3A_5 = arith.constant 0 : i32
    %dma_start3A_6 = tpu.memref_slice %arg6[%dma_start3A_3, %dma_start3A_4, %dma_start3A_5] : memref<2x128x256xf32, #tpu.memory_space<vmem>> -> memref<1x128x256xf32, #tpu.memory_space<vmem>>
    %dma_start3A_7 = tpu.memref_squeeze %dma_start3A_6 : memref<1x128x256xf32, #tpu.memory_space<vmem>> -> memref<128x256xf32, #tpu.memory_space<vmem>>
    %dma_start3A_8 = arith.constant 0 : i32
    %dma_start3A_9 = tpu.memref_slice %arg5[%dma_start3A, %dma_start3A_8] : memref<2x128xi32, #tpu.memory_space<vmem>> -> memref<1x128xi32, #tpu.memory_space<vmem>>
    %dma_start3A_10 = tpu.memref_squeeze %dma_start3A_9 : memref<1x128xi32, #tpu.memory_space<vmem>> -> memref<128xi32, #tpu.memory_space<vmem>>
    %dma_start3A_11 = arith.constant 0 : i32
    %dma_start3A_12 = arith.constant 0 : i32
    %dma_start3A_13 = tpu.memref_slice %arg2[%dma_start3A_11, %dma_start3A_12] : memref<8192x256xf32, #tpu.memory_space<hbm>> -> memref<8192x256xf32, #tpu.memory_space<hbm>>
    tpu.enqueue_indirect_dma source(%dma_start3A_13 : memref<8192x256xf32, #tpu.memory_space<hbm>>) target(%dma_start3A_7 : memref<128x256xf32, #tpu.memory_space<vmem>>) offsets(%dma_start3A_10 : memref<128xi32, #tpu.memory_space<vmem>>) semaphore(%arg7 : memref<!tpu.dma_semaphore, #tpu.memory_space<semaphore_mem>>)
    %add3A_14 = arith.constant 128 : i32
    %add3A_15 = arith.addi %mul3A_2, %add3A_14 : i32
    %run_scoped3A_16 = arith.constant 1 : i32
    "tpu.region"() ({
      %run_scoped3A_56 = tpu.sem_alloc : memref<!tpu.dma_semaphore, #tpu.memory_space<semaphore_mem>>
      %dma_start3A_57 = arith.constant 0 : i32
      %dma_start3A_58 = tpu.memref_slice %arg5[%run_scoped3A_16, %dma_start3A_57] : memref<2x128xi32, #tpu.memory_space<vmem>> -> memref<1x128xi32, #tpu.memory_space<vmem>>
      %dma_start3A_59 = tpu.memref_squeeze %dma_start3A_58 : memref<1x128xi32, #tpu.memory_space<vmem>> -> memref<128xi32, #tpu.memory_space<vmem>>
      %dma_start3A_60 = tpu.memref_slice %arg3[%add3A_15] : memref<8192xi32, #tpu.memory_space<hbm>> -> memref<128xi32, #tpu.memory_space<hbm>>
      %dma_start3A_61 = arith.constant 0 : i32
      %dma_start3A_62 = tpu.memref_slice %arg5[%run_scoped3A_16, %dma_start3A_61] : memref<2x128xi32, #tpu.memory_space<vmem>> -> memref<1x128xi32, #tpu.memory_space<vmem>>
      %dma_start3A_63 = tpu.memref_squeeze %dma_start3A_62 : memref<1x128xi32, #tpu.memory_space<vmem>> -> memref<128xi32, #tpu.memory_space<vmem>>
      %dma_start3A_64 = tpu.memref_slice %arg3[%add3A_15] : memref<8192xi32, #tpu.memory_space<hbm>> -> memref<128xi32, #tpu.memory_space<hbm>>
      tpu.enqueue_dma source(%dma_start3A_64 : memref<128xi32, #tpu.memory_space<hbm>>) target(%dma_start3A_63 : memref<128xi32, #tpu.memory_space<vmem>>) target_semaphore(%run_scoped3A_56 : memref<!tpu.dma_semaphore, #tpu.memory_space<semaphore_mem>>)
      %dma_wait3A_65 = arith.constant 0 : i32
      %dma_wait3A_66 = tpu.memref_slice %arg5[%run_scoped3A_16, %dma_wait3A_65] : memref<2x128xi32, #tpu.memory_space<vmem>> -> memref<1x128xi32, #tpu.memory_space<vmem>>
      %dma_wait3A_67 = tpu.memref_squeeze %dma_wait3A_66 : memref<1x128xi32, #tpu.memory_space<vmem>> -> memref<128xi32, #tpu.memory_space<vmem>>
      %dma_wait3A_68 = tpu.memref_slice %arg3[%add3A_15] : memref<8192xi32, #tpu.memory_space<hbm>> -> memref<128xi32, #tpu.memory_space<hbm>>
      %dma_wait3A_69 = arith.constant 0 : i32
      %dma_wait3A_70 = tpu.memref_slice %arg5[%run_scoped3A_16, %dma_wait3A_69] : memref<2x128xi32, #tpu.memory_space<vmem>> -> memref<1x128xi32, #tpu.memory_space<vmem>>
      %dma_wait3A_71 = tpu.memref_squeeze %dma_wait3A_70 : memref<1x128xi32, #tpu.memory_space<vmem>> -> memref<128xi32, #tpu.memory_space<vmem>>
      %dma_wait3A_72 = tpu.memref_slice %arg3[%add3A_15] : memref<8192xi32, #tpu.memory_space<hbm>> -> memref<128xi32, #tpu.memory_space<hbm>>
      tpu.wait_dma2 semaphore(%run_scoped3A_56 : memref<!tpu.dma_semaphore, #tpu.memory_space<semaphore_mem>>) src(%dma_wait3A_72 : memref<128xi32, #tpu.memory_space<hbm>>) dst(%dma_wait3A_71 : memref<128xi32, #tpu.memory_space<vmem>>)
      tpu.yield
    }) : () -> ()
    %dma_start3A_17 = arith.constant 1 : i32
    %dma_start3A_18 = arith.constant 1 : i32
    %dma_start3A_19 = arith.constant 0 : i32
    %dma_start3A_20 = arith.constant 0 : i32
    %dma_start3A_21 = tpu.memref_slice %arg6[%dma_start3A_18, %dma_start3A_19, %dma_start3A_20] : memref<2x128x256xf32, #tpu.memory_space<vmem>> -> memref<1x128x256xf32, #tpu.memory_space<vmem>>
    %dma_start3A_22 = tpu.memref_squeeze %dma_start3A_21 : memref<1x128x256xf32, #tpu.memory_space<vmem>> -> memref<128x256xf32, #tpu.memory_space<vmem>>
    %dma_start3A_23 = arith.constant 0 : i32
    %dma_start3A_24 = tpu.memref_slice %arg5[%dma_start3A_17, %dma_start3A_23] : memref<2x128xi32, #tpu.memory_space<vmem>> -> memref<1x128xi32, #tpu.memory_space<vmem>>
    %dma_start3A_25 = tpu.memref_squeeze %dma_start3A_24 : memref<1x128xi32, #tpu.memory_space<vmem>> -> memref<128xi32, #tpu.memory_space<vmem>>
    %dma_start3A_26 = arith.constant 0 : i32
    %dma_start3A_27 = arith.constant 0 : i32
    %dma_start3A_28 = tpu.memref_slice %arg2[%dma_start3A_26, %dma_start3A_27] : memref<8192x256xf32, #tpu.memory_space<hbm>> -> memref<8192x256xf32, #tpu.memory_space<hbm>>
    tpu.enqueue_indirect_dma source(%dma_start3A_28 : memref<8192x256xf32, #tpu.memory_space<hbm>>) target(%dma_start3A_22 : memref<128x256xf32, #tpu.memory_space<vmem>>) offsets(%dma_start3A_25 : memref<128xi32, #tpu.memory_space<vmem>>) semaphore(%arg8 : memref<!tpu.dma_semaphore, #tpu.memory_space<semaphore_mem>>)
    %dma_wait3A = arith.constant 0 : i32
    %dma_wait3A_29 = arith.constant 0 : i32
    %dma_wait3A_30 = arith.constant 0 : i32
    %dma_wait3A_31 = arith.constant 0 : i32
    %dma_wait3A_32 = tpu.memref_slice %arg6[%dma_wait3A_29, %dma_wait3A_30, %dma_wait3A_31] : memref<2x128x256xf32, #tpu.memory_space<vmem>> -> memref<1x128x256xf32, #tpu.memory_space<vmem>>
    %dma_wait3A_33 = tpu.memref_squeeze %dma_wait3A_32 : memref<1x128x256xf32, #tpu.memory_space<vmem>> -> memref<128x256xf32, #tpu.memory_space<vmem>>
    %dma_wait3A_34 = arith.constant 0 : i32
    %dma_wait3A_35 = tpu.memref_slice %arg5[%dma_wait3A, %dma_wait3A_34] : memref<2x128xi32, #tpu.memory_space<vmem>> -> memref<1x128xi32, #tpu.memory_space<vmem>>
    %dma_wait3A_36 = tpu.memref_squeeze %dma_wait3A_35 : memref<1x128xi32, #tpu.memory_space<vmem>> -> memref<128xi32, #tpu.memory_space<vmem>>
    %dma_wait3A_37 = arith.constant 0 : i32
    %dma_wait3A_38 = arith.constant 0 : i32
    %dma_wait3A_39 = tpu.memref_slice %arg2[%dma_wait3A_37, %dma_wait3A_38] : memref<8192x256xf32, #tpu.memory_space<hbm>> -> memref<8192x256xf32, #tpu.memory_space<hbm>>
    tpu.wait_indirect_dma semaphore(%arg7 : memref<!tpu.dma_semaphore, #tpu.memory_space<semaphore_mem>>) src(%dma_wait3A_39 : memref<8192x256xf32, #tpu.memory_space<hbm>>) dst(%dma_wait3A_33 : memref<128x256xf32, #tpu.memory_space<vmem>>)
    %run_scoped3A_40 = arith.constant 0 : i32
    "tpu.region"() ({
      %run_scoped3A_56 = tpu.sem_alloc : memref<!tpu.dma_semaphore, #tpu.memory_space<semaphore_mem>>
      %dma_start3A_57 = arith.constant 0 : i32
      %dma_start3A_58 = arith.constant 0 : i32
      %dma_start3A_59 = tpu.memref_slice %arg6[%run_scoped3A_40, %dma_start3A_57, %dma_start3A_58] : memref<2x128x256xf32, #tpu.memory_space<vmem>> -> memref<1x128x256xf32, #tpu.memory_space<vmem>>
      %dma_start3A_60 = tpu.memref_squeeze %dma_start3A_59 : memref<1x128x256xf32, #tpu.memory_space<vmem>> -> memref<128x256xf32, #tpu.memory_space<vmem>>
      %dma_start3A_61 = arith.constant 0 : i32
      %dma_start3A_62 = tpu.memref_slice %arg4[%mul3A_2, %dma_start3A_61] : memref<8192x256xf32, #tpu.memory_space<hbm>> -> memref<128x256xf32, #tpu.memory_space<hbm>>
      %dma_start3A_63 = arith.constant 0 : i32
      %dma_start3A_64 = tpu.memref_slice %arg4[%mul3A_2, %dma_start3A_63] : memref<8192x256xf32, #tpu.memory_space<hbm>> -> memref<128x256xf32, #tpu.memory_space<hbm>>
      %dma_start3A_65 = arith.constant 0 : i32
      %dma_start3A_66 = arith.constant 0 : i32
      %dma_start3A_67 = tpu.memref_slice %arg6[%run_scoped3A_40, %dma_start3A_65, %dma_start3A_66] : memref<2x128x256xf32, #tpu.memory_space<vmem>> -> memref<1x128x256xf32, #tpu.memory_space<vmem>>
      %dma_start3A_68 = tpu.memref_squeeze %dma_start3A_67 : memref<1x128x256xf32, #tpu.memory_space<vmem>> -> memref<128x256xf32, #tpu.memory_space<vmem>>
      tpu.enqueue_dma source(%dma_start3A_68 : memref<128x256xf32, #tpu.memory_space<vmem>>) target(%dma_start3A_64 : memref<128x256xf32, #tpu.memory_space<hbm>>) target_semaphore(%run_scoped3A_56 : memref<!tpu.dma_semaphore, #tpu.memory_space<semaphore_mem>>)
      %dma_wait3A_69 = arith.constant 0 : i32
      %dma_wait3A_70 = arith.constant 0 : i32
      %dma_wait3A_71 = tpu.memref_slice %arg6[%run_scoped3A_40, %dma_wait3A_69, %dma_wait3A_70] : memref<2x128x256xf32, #tpu.memory_space<vmem>> -> memref<1x128x256xf32, #tpu.memory_space<vmem>>
      %dma_wait3A_72 = tpu.memref_squeeze %dma_wait3A_71 : memref<1x128x256xf32, #tpu.memory_space<vmem>> -> memref<128x256xf32, #tpu.memory_space<vmem>>
      %dma_wait3A_73 = arith.constant 0 : i32
      %dma_wait3A_74 = tpu.memref_slice %arg4[%mul3A_2, %dma_wait3A_73] : memref<8192x256xf32, #tpu.memory_space<hbm>> -> memref<128x256xf32, #tpu.memory_space<hbm>>
      %dma_wait3A_75 = arith.constant 0 : i32
      %dma_wait3A_76 = tpu.memref_slice %arg4[%mul3A_2, %dma_wait3A_75] : memref<8192x256xf32, #tpu.memory_space<hbm>> -> memref<128x256xf32, #tpu.memory_space<hbm>>
      %dma_wait3A_77 = arith.constant 0 : i32
      %dma_wait3A_78 = arith.constant 0 : i32
      %dma_wait3A_79 = tpu.memref_slice %arg6[%run_scoped3A_40, %dma_wait3A_77, %dma_wait3A_78] : memref<2x128x256xf32, #tpu.memory_space<vmem>> -> memref<1x128x256xf32, #tpu.memory_space<vmem>>
      %dma_wait3A_80 = tpu.memref_squeeze %dma_wait3A_79 : memref<1x128x256xf32, #tpu.memory_space<vmem>> -> memref<128x256xf32, #tpu.memory_space<vmem>>
      tpu.wait_dma2 semaphore(%run_scoped3A_56 : memref<!tpu.dma_semaphore, #tpu.memory_space<semaphore_mem>>) src(%dma_wait3A_80 : memref<128x256xf32, #tpu.memory_space<vmem>>) dst(%dma_wait3A_76 : memref<128x256xf32, #tpu.memory_space<hbm>>)
      tpu.yield
    }) : () -> ()
    %dma_wait3A_41 = arith.constant 1 : i32
    %dma_wait3A_42 = arith.constant 1 : i32
    %dma_wait3A_43 = arith.constant 0 : i32
    %dma_wait3A_44 = arith.constant 0 : i32
    %dma_wait3A_45 = tpu.memref_slice %arg6[%dma_wait3A_42, %dma_wait3A_43, %dma_wait3A_44] : memref<2x128x256xf32, #tpu.memory_space<vmem>> -> memref<1x128x256xf32, #tpu.memory_space<vmem>>
    %dma_wait3A_46 = tpu.memref_squeeze %dma_wait3A_45 : memref<1x128x256xf32, #tpu.memory_space<vmem>> -> memref<128x256xf32, #tpu.memory_space<vmem>>
    %dma_wait3A_47 = arith.constant 0 : i32
    %dma_wait3A_48 = tpu.memref_slice %arg5[%dma_wait3A_41, %dma_wait3A_47] : memref<2x128xi32, #tpu.memory_space<vmem>> -> memref<1x128xi32, #tpu.memory_space<vmem>>
    %dma_wait3A_49 = tpu.memref_squeeze %dma_wait3A_48 : memref<1x128xi32, #tpu.memory_space<vmem>> -> memref<128xi32, #tpu.memory_space<vmem>>
    %dma_wait3A_50 = arith.constant 0 : i32
    %dma_wait3A_51 = arith.constant 0 : i32
    %dma_wait3A_52 = tpu.memref_slice %arg2[%dma_wait3A_50, %dma_wait3A_51] : memref<8192x256xf32, #tpu.memory_space<hbm>> -> memref<8192x256xf32, #tpu.memory_space<hbm>>
    tpu.wait_indirect_dma semaphore(%arg8 : memref<!tpu.dma_semaphore, #tpu.memory_space<semaphore_mem>>) src(%dma_wait3A_52 : memref<8192x256xf32, #tpu.memory_space<hbm>>) dst(%dma_wait3A_46 : memref<128x256xf32, #tpu.memory_space<vmem>>)
    %add3A_53 = arith.constant 128 : i32
    %add3A_54 = arith.addi %mul3A_2, %add3A_53 : i32
    %run_scoped3A_55 = arith.constant 1 : i32
    "tpu.region"() ({
      %run_scoped3A_56 = tpu.sem_alloc : memref<!tpu.dma_semaphore, #tpu.memory_space<semaphore_mem>>
      %dma_start3A_57 = arith.constant 0 : i32
      %dma_start3A_58 = arith.constant 0 : i32
      %dma_start3A_59 = tpu.memref_slice %arg6[%run_scoped3A_55, %dma_start3A_57, %dma_start3A_58] : memref<2x128x256xf32, #tpu.memory_space<vmem>> -> memref<1x128x256xf32, #tpu.memory_space<vmem>>
      %dma_start3A_60 = tpu.memref_squeeze %dma_start3A_59 : memref<1x128x256xf32, #tpu.memory_space<vmem>> -> memref<128x256xf32, #tpu.memory_space<vmem>>
      %dma_start3A_61 = arith.constant 0 : i32
      %dma_start3A_62 = tpu.memref_slice %arg4[%add3A_54, %dma_start3A_61] : memref<8192x256xf32, #tpu.memory_space<hbm>> -> memref<128x256xf32, #tpu.memory_space<hbm>>
      %dma_start3A_63 = arith.constant 0 : i32
      %dma_start3A_64 = tpu.memref_slice %arg4[%add3A_54, %dma_start3A_63] : memref<8192x256xf32, #tpu.memory_space<hbm>> -> memref<128x256xf32, #tpu.memory_space<hbm>>
      %dma_start3A_65 = arith.constant 0 : i32
      %dma_start3A_66 = arith.constant 0 : i32
      %dma_start3A_67 = tpu.memref_slice %arg6[%run_scoped3A_55, %dma_start3A_65, %dma_start3A_66] : memref<2x128x256xf32, #tpu.memory_space<vmem>> -> memref<1x128x256xf32, #tpu.memory_space<vmem>>
      %dma_start3A_68 = tpu.memref_squeeze %dma_start3A_67 : memref<1x128x256xf32, #tpu.memory_space<vmem>> -> memref<128x256xf32, #tpu.memory_space<vmem>>
      tpu.enqueue_dma source(%dma_start3A_68 : memref<128x256xf32, #tpu.memory_space<vmem>>) target(%dma_start3A_64 : memref<128x256xf32, #tpu.memory_space<hbm>>) target_semaphore(%run_scoped3A_56 : memref<!tpu.dma_semaphore, #tpu.memory_space<semaphore_mem>>)
      %dma_wait3A_69 = arith.constant 0 : i32
      %dma_wait3A_70 = arith.constant 0 : i32
      %dma_wait3A_71 = tpu.memref_slice %arg6[%run_scoped3A_55, %dma_wait3A_69, %dma_wait3A_70] : memref<2x128x256xf32, #tpu.memory_space<vmem>> -> memref<1x128x256xf32, #tpu.memory_space<vmem>>
      %dma_wait3A_72 = tpu.memref_squeeze %dma_wait3A_71 : memref<1x128x256xf32, #tpu.memory_space<vmem>> -> memref<128x256xf32, #tpu.memory_space<vmem>>
      %dma_wait3A_73 = arith.constant 0 : i32
      %dma_wait3A_74 = tpu.memref_slice %arg4[%add3A_54, %dma_wait3A_73] : memref<8192x256xf32, #tpu.memory_space<hbm>> -> memref<128x256xf32, #tpu.memory_space<hbm>>
      %dma_wait3A_75 = arith.constant 0 : i32
      %dma_wait3A_76 = tpu.memref_slice %arg4[%add3A_54, %dma_wait3A_75] : memref<8192x256xf32, #tpu.memory_space<hbm>> -> memref<128x256xf32, #tpu.memory_space<hbm>>
      %dma_wait3A_77 = arith.constant 0 : i32
      %dma_wait3A_78 = arith.constant 0 : i32
      %dma_wait3A_79 = tpu.memref_slice %arg6[%run_scoped3A_55, %dma_wait3A_77, %dma_wait3A_78] : memref<2x128x256xf32, #tpu.memory_space<vmem>> -> memref<1x128x256xf32, #tpu.memory_space<vmem>>
      %dma_wait3A_80 = tpu.memref_squeeze %dma_wait3A_79 : memref<1x128x256xf32, #tpu.memory_space<vmem>> -> memref<128x256xf32, #tpu.memory_space<vmem>>
      tpu.wait_dma2 semaphore(%run_scoped3A_56 : memref<!tpu.dma_semaphore, #tpu.memory_space<semaphore_mem>>) src(%dma_wait3A_80 : memref<128x256xf32, #tpu.memory_space<vmem>>) dst(%dma_wait3A_76 : memref<128x256xf32, #tpu.memory_space<hbm>>)
      tpu.yield
    }) : () -> ()
    return
  }
}

module attributes {stable_mosaic.version = 14 : i64} {
  func.func @_encode_body(%arg0: i32, %arg1: memref<1024x1024xf32, #tpu.memory_space<vmem>>, %arg2: memref<1024x256xbf16, #tpu.memory_space<vmem>>, %arg3: memref<1024x256xf32, #tpu.memory_space<vmem>>) attributes {dimension_semantics = [#tpu.dimension_semantics<arbitrary>], iteration_bounds = array<i64: 8>, scalar_prefetch = 0 : i64, scratch_operands = 0 : i64, tpu.core_type = #tpu.core_type<tc>, window_params = [{transform_indices = @transform_0, window_bounds = array<i64: 1024, 1024>}, {pipeline_mode = #tpu.pipeline_mode<synchronous>, transform_indices = @transform_1, window_bounds = array<i64: 1024, 256>}, {transform_indices = @transform_2, window_bounds = array<i64: 1024, 256>}]} {
    %get3A = arith.constant 0 : index
    %get3A_0 = arith.constant 0 : index
    %get3A_1 = vector.load %arg1[%get3A, %get3A_0] : memref<1024x1024xf32, #tpu.memory_space<vmem>>, vector<1024x1024xf32>
    %convert_element_type3A = arith.truncf %get3A_1 : vector<1024x1024xf32> to vector<1024x1024xbf16>
    %get3A_2 = arith.constant 0 : index
    %get3A_3 = arith.constant 0 : index
    %get3A_4 = vector.load %arg2[%get3A_2, %get3A_3] : memref<1024x256xbf16, #tpu.memory_space<vmem>>, vector<1024x256xbf16>
    %dot_general3A = arith.constant dense<0.000000e+00> : vector<1024x256xf32>
    %dot_general3A_5 = tpu.matmul %convert_element_type3A, %get3A_4, %dot_general3A {dimension_numbers = #tpu.dot_dimension_numbers<[1], [0], [0], [1], [0, 0, 1, 1], [], []>, transpose_lhs_hint = false} : vector<1024x1024xbf16>, vector<1024x256xbf16>, vector<1024x256xf32> -> vector<1024x256xf32>
    %swap3A = arith.constant 0 : index
    %swap3A_6 = arith.constant 0 : index
    %swap3A_7 = vector.load %arg3[%swap3A, %swap3A_6] : memref<1024x256xf32, #tpu.memory_space<vmem>>, vector<1024x256xf32>
    tpu.vector_store %arg3[%swap3A, %swap3A_6], %dot_general3A_5 {strides = array<i32>} : memref<1024x256xf32, #tpu.memory_space<vmem>>, vector<1024x256xf32>,
    return
  }
  func.func @transform_0(%arg0: i32) -> (i32, i32) {
    %c0_i32 = arith.constant 0 : i32
    %c0_i32_0 = arith.constant 0 : i32
    return %arg0, %c0_i32 : i32, i32
  }
  func.func @transform_1(%arg0: i32) -> (i32, i32) {
    %c0_i32 = arith.constant 0 : i32
    %c0_i32_0 = arith.constant 0 : i32
    %c0_i32_1 = arith.constant 0 : i32
    return %c0_i32, %c0_i32_0 : i32, i32
  }
  func.func @transform_2(%arg0: i32) -> (i32, i32) {
    %c0_i32 = arith.constant 0 : i32
    %c0_i32_0 = arith.constant 0 : i32
    return %arg0, %c0_i32 : i32, i32
  }
}

module attributes {stable_mosaic.version = 14 : i64} {
  func.func @_assign_body(%arg0: i32, %arg1: memref<1024x256xf32, #tpu.memory_space<vmem>>, %arg2: memref<1024x1xf32, #tpu.memory_space<vmem>>, %arg3: memref<1x8192xf32, #tpu.memory_space<vmem>>, %arg4: memref<256x8192xbf16, #tpu.memory_space<vmem>>, %arg5: memref<1024xi32, #tpu.memory_space<vmem>>) attributes {dimension_semantics = [#tpu.dimension_semantics<arbitrary>], iteration_bounds = array<i64: 8>, scalar_prefetch = 0 : i64, scratch_operands = 0 : i64, tpu.core_type = #tpu.core_type<tc>, window_params = [{transform_indices = @transform_0, window_bounds = array<i64: 1024, 256>}, {transform_indices = @transform_1, window_bounds = array<i64: 1024, 1>}, {pipeline_mode = #tpu.pipeline_mode<synchronous>, transform_indices = @transform_2, window_bounds = array<i64: 1, 8192>}, {pipeline_mode = #tpu.pipeline_mode<synchronous>, transform_indices = @transform_3, window_bounds = array<i64: 256, 8192>}, {transform_indices = @transform_4, window_bounds = array<i64: 1024>}]} {
    %get3A = arith.constant 0 : index
    %get3A_0 = arith.constant 0 : index
    %get3A_1 = vector.load %arg1[%get3A, %get3A_0] : memref<1024x256xf32, #tpu.memory_space<vmem>>, vector<1024x256xf32>
    %convert_element_type3A = arith.truncf %get3A_1 : vector<1024x256xf32> to vector<1024x256xbf16>
    %mul3A = arith.constant 2.000000e+00 : bf16
    %mul3A_2 = vector.broadcast %mul3A : bf16 to vector<1024x256xbf16>
    %mul3A_3 = arith.mulf %convert_element_type3A, %mul3A_2 : vector<1024x256xbf16>
    %get3A_4 = arith.constant 0 : index
    %get3A_5 = arith.constant 0 : index
    %get3A_6 = vector.load %arg2[%get3A_4, %get3A_5] : memref<1024x1xf32, #tpu.memory_space<vmem>>, vector<1024x1xf32>
    %broadcast_in_dim3A = arith.constant 0x7F800000 : f32
    %broadcast_in_dim3A_7 = vector.broadcast %broadcast_in_dim3A : f32 to vector<1024x128xf32>
    %broadcast_in_dim3A_8 = arith.constant 0 : i32
    %broadcast_in_dim3A_9 = vector.broadcast %broadcast_in_dim3A_8 : i32 to vector<1024x128xi32>
    %scan3A = arith.constant 0 : i32
    %scan3A_10 = arith.constant 8 : i32
    %scan3A_11 = arith.addi %scan3A, %scan3A_10 : i32
    %scan3A_12 = arith.constant 1 : i32
    %scan3A_13:2 = scf.for %scan3A_25 = %scan3A to %scan3A_11 step %scan3A_12 iter_args(%scan3A_26 = %broadcast_in_dim3A_7, %scan3A_27 = %broadcast_in_dim3A_9) -> (vector<1024x128xf32>, vector<1024x128xi32>)  : i32 {
      %mul3A_28 = arith.constant 1024 : i32
      %mul3A_29 = arith.muli %scan3A_25, %mul3A_28 : i32
      %get3A_30 = arith.constant 0 : index
      %get3A_31 = arith.index_cast %mul3A_29 : i32 to index
      %get3A_32 = vector.load %arg4[%get3A_30, %get3A_31] : memref<256x8192xbf16, #tpu.memory_space<vmem>>, vector<256x1024xbf16>
      %dot_general3A = arith.constant dense<0.000000e+00> : vector<1024x1024xf32>
      %dot_general3A_33 = tpu.matmul %mul3A_3, %get3A_32, %dot_general3A {dimension_numbers = #tpu.dot_dimension_numbers<[1], [0], [0], [1], [0, 0, 1, 1], [], []>, transpose_lhs_hint = false} : vector<1024x256xbf16>, vector<256x1024xbf16>, vector<1024x1024xf32> -> vector<1024x1024xf32>
      %mul3A_34 = arith.constant 8 : i32
      %mul3A_35 = arith.muli %scan3A_25, %mul3A_34 : i32
      %add3A_36 = arith.constant 0 : i32
      %add3A_37 = arith.addi %mul3A_35, %add3A_36 : i32
      %mul3A_38 = arith.constant 1024 : i32
      %mul3A_39 = arith.muli %scan3A_25, %mul3A_38 : i32
      %add3A_40 = arith.constant 0 : i32
      %add3A_41 = arith.addi %mul3A_39, %add3A_40 : i32
      %get3A_42 = arith.constant 0 : index
      %get3A_43 = arith.index_cast %add3A_41 : i32 to index
      %get3A_44 = vector.load %arg3[%get3A_42, %get3A_43] : memref<1x8192xf32, #tpu.memory_space<vmem>>, vector<1x128xf32>
      %add3A_45 = vector.broadcast %get3A_6 : vector<1024x1xf32> to vector<1024x128xf32>
      %add3A_46 = vector.broadcast %get3A_44 : vector<1x128xf32> to vector<1024x128xf32>
      %add3A_47 = arith.addf %add3A_45, %add3A_46 : vector<1024x128xf32>
      %slice3A = vector.extract_strided_slice %dot_general3A_33 {offsets = [0, 0], sizes = [1024, 128], strides = [1, 1]} : vector<1024x1024xf32> to vector<1024x128xf32>
      %sub3A = arith.subf %add3A_47, %slice3A : vector<1024x128xf32>
      %lt3A = arith.cmpf olt, %sub3A, %scan3A_26 : vector<1024x128xf32>
      %select_n3A_48 = arith.select %lt3A, %sub3A, %scan3A_26 : vector<1024x128xi1>, vector<1024x128xf32>
      %broadcast_in_dim3A_49 = vector.broadcast %add3A_37 : i32 to vector<1024x128xi32>
      %select_n3A_50 = arith.select %lt3A, %broadcast_in_dim3A_49, %scan3A_27 : vector<1024x128xi1>, vector<1024x128xi32>
      %mul3A_51 = arith.constant 8 : i32
      %mul3A_52 = arith.muli %scan3A_25, %mul3A_51 : i32
      %add3A_53 = arith.constant 1 : i32
      %add3A_54 = arith.addi %mul3A_52, %add3A_53 : i32
      %mul3A_55 = arith.constant 1024 : i32
      %mul3A_56 = arith.muli %scan3A_25, %mul3A_55 : i32
      %add3A_57 = arith.constant 128 : i32
      %add3A_58 = arith.addi %mul3A_56, %add3A_57 : i32
      %get3A_59 = arith.constant 0 : index
      %get3A_60 = arith.index_cast %add3A_58 : i32 to index
      %get3A_61 = vector.load %arg3[%get3A_59, %get3A_60] : memref<1x8192xf32, #tpu.memory_space<vmem>>, vector<1x128xf32>
      %add3A_62 = vector.broadcast %get3A_6 : vector<1024x1xf32> to vector<1024x128xf32>
      %add3A_63 = vector.broadcast %get3A_61 : vector<1x128xf32> to vector<1024x128xf32>
      %add3A_64 = arith.addf %add3A_62, %add3A_63 : vector<1024x128xf32>
      %slice3A_65 = vector.extract_strided_slice %dot_general3A_33 {offsets = [0, 128], sizes = [1024, 128], strides = [1, 1]} : vector<1024x1024xf32> to vector<1024x128xf32>
      %sub3A_66 = arith.subf %add3A_64, %slice3A_65 : vector<1024x128xf32>
      %lt3A_67 = arith.cmpf olt, %sub3A_66, %select_n3A_48 : vector<1024x128xf32>
      %select_n3A_68 = arith.select %lt3A_67, %sub3A_66, %select_n3A_48 : vector<1024x128xi1>, vector<1024x128xf32>
      %broadcast_in_dim3A_69 = vector.broadcast %add3A_54 : i32 to vector<1024x128xi32>
      %select_n3A_70 = arith.select %lt3A_67, %broadcast_in_dim3A_69, %select_n3A_50 : vector<1024x128xi1>, vector<1024x128xi32>
      %mul3A_71 = arith.constant 8 : i32
      %mul3A_72 = arith.muli %scan3A_25, %mul3A_71 : i32
      %add3A_73 = arith.constant 2 : i32
      %add3A_74 = arith.addi %mul3A_72, %add3A_73 : i32
      %mul3A_75 = arith.constant 1024 : i32
      %mul3A_76 = arith.muli %scan3A_25, %mul3A_75 : i32
      %add3A_77 = arith.constant 256 : i32
      %add3A_78 = arith.addi %mul3A_76, %add3A_77 : i32
      %get3A_79 = arith.constant 0 : index
      %get3A_80 = arith.index_cast %add3A_78 : i32 to index
      %get3A_81 = vector.load %arg3[%get3A_79, %get3A_80] : memref<1x8192xf32, #tpu.memory_space<vmem>>, vector<1x128xf32>
      %add3A_82 = vector.broadcast %get3A_6 : vector<1024x1xf32> to vector<1024x128xf32>
      %add3A_83 = vector.broadcast %get3A_81 : vector<1x128xf32> to vector<1024x128xf32>
      %add3A_84 = arith.addf %add3A_82, %add3A_83 : vector<1024x128xf32>
      %slice3A_85 = vector.extract_strided_slice %dot_general3A_33 {offsets = [0, 256], sizes = [1024, 128], strides = [1, 1]} : vector<1024x1024xf32> to vector<1024x128xf32>
      %sub3A_86 = arith.subf %add3A_84, %slice3A_85 : vector<1024x128xf32>
      %lt3A_87 = arith.cmpf olt, %sub3A_86, %select_n3A_68 : vector<1024x128xf32>
      %select_n3A_88 = arith.select %lt3A_87, %sub3A_86, %select_n3A_68 : vector<1024x128xi1>, vector<1024x128xf32>
      %broadcast_in_dim3A_89 = vector.broadcast %add3A_74 : i32 to vector<1024x128xi32>
      %select_n3A_90 = arith.select %lt3A_87, %broadcast_in_dim3A_89, %select_n3A_70 : vector<1024x128xi1>, vector<1024x128xi32>
      %mul3A_91 = arith.constant 8 : i32
      %mul3A_92 = arith.muli %scan3A_25, %mul3A_91 : i32
      %add3A_93 = arith.constant 3 : i32
      %add3A_94 = arith.addi %mul3A_92, %add3A_93 : i32
      %mul3A_95 = arith.constant 1024 : i32
      %mul3A_96 = arith.muli %scan3A_25, %mul3A_95 : i32
      %add3A_97 = arith.constant 384 : i32
      %add3A_98 = arith.addi %mul3A_96, %add3A_97 : i32
      %get3A_99 = arith.constant 0 : index
      %get3A_100 = arith.index_cast %add3A_98 : i32 to index
      %get3A_101 = vector.load %arg3[%get3A_99, %get3A_100] : memref<1x8192xf32, #tpu.memory_space<vmem>>, vector<1x128xf32>
      %add3A_102 = vector.broadcast %get3A_6 : vector<1024x1xf32> to vector<1024x128xf32>
      %add3A_103 = vector.broadcast %get3A_101 : vector<1x128xf32> to vector<1024x128xf32>
      %add3A_104 = arith.addf %add3A_102, %add3A_103 : vector<1024x128xf32>
      %slice3A_105 = vector.extract_strided_slice %dot_general3A_33 {offsets = [0, 384], sizes = [1024, 128], strides = [1, 1]} : vector<1024x1024xf32> to vector<1024x128xf32>
      %sub3A_106 = arith.subf %add3A_104, %slice3A_105 : vector<1024x128xf32>
      %lt3A_107 = arith.cmpf olt, %sub3A_106, %select_n3A_88 : vector<1024x128xf32>
      %select_n3A_108 = arith.select %lt3A_107, %sub3A_106, %select_n3A_88 : vector<1024x128xi1>, vector<1024x128xf32>
      %broadcast_in_dim3A_109 = vector.broadcast %add3A_94 : i32 to vector<1024x128xi32>
      %select_n3A_110 = arith.select %lt3A_107, %broadcast_in_dim3A_109, %select_n3A_90 : vector<1024x128xi1>, vector<1024x128xi32>
      %mul3A_111 = arith.constant 8 : i32
      %mul3A_112 = arith.muli %scan3A_25, %mul3A_111 : i32
      %add3A_113 = arith.constant 4 : i32
      %add3A_114 = arith.addi %mul3A_112, %add3A_113 : i32
      %mul3A_115 = arith.constant 1024 : i32
      %mul3A_116 = arith.muli %scan3A_25, %mul3A_115 : i32
      %add3A_117 = arith.constant 512 : i32
      %add3A_118 = arith.addi %mul3A_116, %add3A_117 : i32
      %get3A_119 = arith.constant 0 : index
      %get3A_120 = arith.index_cast %add3A_118 : i32 to index
      %get3A_121 = vector.load %arg3[%get3A_119, %get3A_120] : memref<1x8192xf32, #tpu.memory_space<vmem>>, vector<1x128xf32>
      %add3A_122 = vector.broadcast %get3A_6 : vector<1024x1xf32> to vector<1024x128xf32>
      %add3A_123 = vector.broadcast %get3A_121 : vector<1x128xf32> to vector<1024x128xf32>
      %add3A_124 = arith.addf %add3A_122, %add3A_123 : vector<1024x128xf32>
      %slice3A_125 = vector.extract_strided_slice %dot_general3A_33 {offsets = [0, 512], sizes = [1024, 128], strides = [1, 1]} : vector<1024x1024xf32> to vector<1024x128xf32>
      %sub3A_126 = arith.subf %add3A_124, %slice3A_125 : vector<1024x128xf32>
      %lt3A_127 = arith.cmpf olt, %sub3A_126, %select_n3A_108 : vector<1024x128xf32>
      %select_n3A_128 = arith.select %lt3A_127, %sub3A_126, %select_n3A_108 : vector<1024x128xi1>, vector<1024x128xf32>
      %broadcast_in_dim3A_129 = vector.broadcast %add3A_114 : i32 to vector<1024x128xi32>
      %select_n3A_130 = arith.select %lt3A_127, %broadcast_in_dim3A_129, %select_n3A_110 : vector<1024x128xi1>, vector<1024x128xi32>
      %mul3A_131 = arith.constant 8 : i32
      %mul3A_132 = arith.muli %scan3A_25, %mul3A_131 : i32
      %add3A_133 = arith.constant 5 : i32
      %add3A_134 = arith.addi %mul3A_132, %add3A_133 : i32
      %mul3A_135 = arith.constant 1024 : i32
      %mul3A_136 = arith.muli %scan3A_25, %mul3A_135 : i32
      %add3A_137 = arith.constant 640 : i32
      %add3A_138 = arith.addi %mul3A_136, %add3A_137 : i32
      %get3A_139 = arith.constant 0 : index
      %get3A_140 = arith.index_cast %add3A_138 : i32 to index
      %get3A_141 = vector.load %arg3[%get3A_139, %get3A_140] : memref<1x8192xf32, #tpu.memory_space<vmem>>, vector<1x128xf32>
      %add3A_142 = vector.broadcast %get3A_6 : vector<1024x1xf32> to vector<1024x128xf32>
      %add3A_143 = vector.broadcast %get3A_141 : vector<1x128xf32> to vector<1024x128xf32>
      %add3A_144 = arith.addf %add3A_142, %add3A_143 : vector<1024x128xf32>
      %slice3A_145 = vector.extract_strided_slice %dot_general3A_33 {offsets = [0, 640], sizes = [1024, 128], strides = [1, 1]} : vector<1024x1024xf32> to vector<1024x128xf32>
      %sub3A_146 = arith.subf %add3A_144, %slice3A_145 : vector<1024x128xf32>
      %lt3A_147 = arith.cmpf olt, %sub3A_146, %select_n3A_128 : vector<1024x128xf32>
      %select_n3A_148 = arith.select %lt3A_147, %sub3A_146, %select_n3A_128 : vector<1024x128xi1>, vector<1024x128xf32>
      %broadcast_in_dim3A_149 = vector.broadcast %add3A_134 : i32 to vector<1024x128xi32>
      %select_n3A_150 = arith.select %lt3A_147, %broadcast_in_dim3A_149, %select_n3A_130 : vector<1024x128xi1>, vector<1024x128xi32>
      %mul3A_151 = arith.constant 8 : i32
      %mul3A_152 = arith.muli %scan3A_25, %mul3A_151 : i32
      %add3A_153 = arith.constant 6 : i32
      %add3A_154 = arith.addi %mul3A_152, %add3A_153 : i32
      %mul3A_155 = arith.constant 1024 : i32
      %mul3A_156 = arith.muli %scan3A_25, %mul3A_155 : i32
      %add3A_157 = arith.constant 768 : i32
      %add3A_158 = arith.addi %mul3A_156, %add3A_157 : i32
      %get3A_159 = arith.constant 0 : index
      %get3A_160 = arith.index_cast %add3A_158 : i32 to index
      %get3A_161 = vector.load %arg3[%get3A_159, %get3A_160] : memref<1x8192xf32, #tpu.memory_space<vmem>>, vector<1x128xf32>
      %add3A_162 = vector.broadcast %get3A_6 : vector<1024x1xf32> to vector<1024x128xf32>
      %add3A_163 = vector.broadcast %get3A_161 : vector<1x128xf32> to vector<1024x128xf32>
      %add3A_164 = arith.addf %add3A_162, %add3A_163 : vector<1024x128xf32>
      %slice3A_165 = vector.extract_strided_slice %dot_general3A_33 {offsets = [0, 768], sizes = [1024, 128], strides = [1, 1]} : vector<1024x1024xf32> to vector<1024x128xf32>
      %sub3A_166 = arith.subf %add3A_164, %slice3A_165 : vector<1024x128xf32>
      %lt3A_167 = arith.cmpf olt, %sub3A_166, %select_n3A_148 : vector<1024x128xf32>
      %select_n3A_168 = arith.select %lt3A_167, %sub3A_166, %select_n3A_148 : vector<1024x128xi1>, vector<1024x128xf32>
      %broadcast_in_dim3A_169 = vector.broadcast %add3A_154 : i32 to vector<1024x128xi32>
      %select_n3A_170 = arith.select %lt3A_167, %broadcast_in_dim3A_169, %select_n3A_150 : vector<1024x128xi1>, vector<1024x128xi32>
      %mul3A_171 = arith.constant 8 : i32
      %mul3A_172 = arith.muli %scan3A_25, %mul3A_171 : i32
      %add3A_173 = arith.constant 7 : i32
      %add3A_174 = arith.addi %mul3A_172, %add3A_173 : i32
      %mul3A_175 = arith.constant 1024 : i32
      %mul3A_176 = arith.muli %scan3A_25, %mul3A_175 : i32
      %add3A_177 = arith.constant 896 : i32
      %add3A_178 = arith.addi %mul3A_176, %add3A_177 : i32
      %get3A_179 = arith.constant 0 : index
      %get3A_180 = arith.index_cast %add3A_178 : i32 to index
      %get3A_181 = vector.load %arg3[%get3A_179, %get3A_180] : memref<1x8192xf32, #tpu.memory_space<vmem>>, vector<1x128xf32>
      %add3A_182 = vector.broadcast %get3A_6 : vector<1024x1xf32> to vector<1024x128xf32>
      %add3A_183 = vector.broadcast %get3A_181 : vector<1x128xf32> to vector<1024x128xf32>
      %add3A_184 = arith.addf %add3A_182, %add3A_183 : vector<1024x128xf32>
      %slice3A_185 = vector.extract_strided_slice %dot_general3A_33 {offsets = [0, 896], sizes = [1024, 128], strides = [1, 1]} : vector<1024x1024xf32> to vector<1024x128xf32>
      %sub3A_186 = arith.subf %add3A_184, %slice3A_185 : vector<1024x128xf32>
      %lt3A_187 = arith.cmpf olt, %sub3A_186, %select_n3A_168 : vector<1024x128xf32>
      %select_n3A_188 = arith.select %lt3A_187, %sub3A_186, %select_n3A_168 : vector<1024x128xi1>, vector<1024x128xf32>
      %broadcast_in_dim3A_189 = vector.broadcast %add3A_174 : i32 to vector<1024x128xi32>
      %select_n3A_190 = arith.select %lt3A_187, %broadcast_in_dim3A_189, %select_n3A_170 : vector<1024x128xi1>, vector<1024x128xi32>
      scf.yield %select_n3A_188, %select_n3A_190 : vector<1024x128xf32>, vector<1024x128xi32>
    }
    %scan3A_14 = arith.constant 8 : i32
    %iota3A = tpu.iota {dimensions = array<i32: 1>} : vector<1024x128xi32>
    %mul3A_15 = arith.constant 128 : i32
    %mul3A_16 = vector.broadcast %mul3A_15 : i32 to vector<1024x128xi32>
    %mul3A_17 = arith.muli %scan3A_13#1, %mul3A_16 : vector<1024x128xi32>
    %add3A = arith.addi %mul3A_17, %iota3A : vector<1024x128xi32>
    %reduce_min3A = arith.constant dense<0x7F800000> : vector<1024xf32>
    %reduce_min3A_18 = vector.multi_reduction <minimumf>, %scan3A_13#0, %reduce_min3A [1] : vector<1024x128xf32> to vector<1024xf32>
    %broadcast_in_dim3A_19 = vector.shape_cast %reduce_min3A_18 : vector<1024xf32> to vector<1024x1xf32>
    %eq3A = vector.broadcast %broadcast_in_dim3A_19 : vector<1024x1xf32> to vector<1024x128xf32>
    %eq3A_20 = arith.cmpf oeq, %scan3A_13#0, %eq3A : vector<1024x128xf32>
    %jit3A = arith.constant 8192 : i32
    %broadcast_in_dim3A_21 = vector.broadcast %jit3A : i32 to vector<1024x128xi32>
    %select_n3A = arith.select %eq3A_20, %add3A, %broadcast_in_dim3A_21 : vector<1024x128xi1>, vector<1024x128xi32>
    %reduce_min3A_22 = arith.constant dense<2147483647> : vector<1024xi32>
    %reduce_min3A_23 = vector.multi_reduction <minsi>, %select_n3A, %reduce_min3A_22 [1] : vector<1024x128xi32> to vector<1024xi32>
    %swap3A = arith.constant 0 : index
    %swap3A_24 = vector.load %arg5[%swap3A] : memref<1024xi32, #tpu.memory_space<vmem>>, vector<1024xi32>
    tpu.vector_store %arg5[%swap3A], %reduce_min3A_23 {strides = array<i32>} : memref<1024xi32, #tpu.memory_space<vmem>>, vector<1024xi32>,
    return
  }
  func.func @transform_0(%arg0: i32) -> (i32, i32) {
    %c0_i32 = arith.constant 0 : i32
    %c0_i32_0 = arith.constant 0 : i32
    return %arg0, %c0_i32 : i32, i32
  }
  func.func @transform_1(%arg0: i32) -> (i32, i32) {
    %c0_i32 = arith.constant 0 : i32
    %c0_i32_0 = arith.constant 0 : i32
    return %arg0, %c0_i32 : i32, i32
  }
  func.func @transform_2(%arg0: i32) -> (i32, i32) {
    %c0_i32 = arith.constant 0 : i32
    %c0_i32_0 = arith.constant 0 : i32
    %c0_i32_1 = arith.constant 0 : i32
    return %c0_i32, %c0_i32_0 : i32, i32
  }
  func.func @transform_3(%arg0: i32) -> (i32, i32) {
    %c0_i32 = arith.constant 0 : i32
    %c0_i32_0 = arith.constant 0 : i32
    %c0_i32_1 = arith.constant 0 : i32
    return %c0_i32, %c0_i32_0 : i32, i32
  }
  func.func @transform_4(%arg0: i32) -> i32 {
    %c0_i32 = arith.constant 0 : i32
    return %arg0 : i32
  }
}

module attributes {stable_mosaic.version = 14 : i64} {
  func.func @_decode_body(%arg0: i32, %arg1: memref<1024x1024xf32, #tpu.memory_space<vmem>>, %arg2: memref<1024x256xf32, #tpu.memory_space<vmem>>, %arg3: memref<1024x256xf32, #tpu.memory_space<vmem>>, %arg4: memref<256x1024xbf16, #tpu.memory_space<vmem>>, %arg5: memref<1x1x128xf32, #tpu.memory_space<vmem>>, %arg6: memref<1x1x128xf32, #tpu.memory_space<vmem>>) attributes {dimension_semantics = [#tpu.dimension_semantics<arbitrary>], iteration_bounds = array<i64: 8>, scalar_prefetch = 0 : i64, scratch_operands = 0 : i64, tpu.core_type = #tpu.core_type<tc>, window_params = [{transform_indices = @transform_0, window_bounds = array<i64: 1024, 1024>}, {transform_indices = @transform_1, window_bounds = array<i64: 1024, 256>}, {transform_indices = @transform_2, window_bounds = array<i64: 1024, 256>}, {pipeline_mode = #tpu.pipeline_mode<synchronous>, transform_indices = @transform_3, window_bounds = array<i64: 256, 1024>}, {transform_indices = @transform_4, window_bounds = array<i64: 1, 1, 128>}, {transform_indices = @transform_5, window_bounds = array<i64: 1, 1, 128>}]} {
    %get3A = arith.constant 0 : index
    %get3A_0 = arith.constant 0 : index
    %get3A_1 = vector.load %arg2[%get3A, %get3A_0] : memref<1024x256xf32, #tpu.memory_space<vmem>>, vector<1024x256xf32>
    %get3A_2 = arith.constant 0 : index
    %get3A_3 = arith.constant 0 : index
    %get3A_4 = vector.load %arg3[%get3A_2, %get3A_3] : memref<1024x256xf32, #tpu.memory_space<vmem>>, vector<1024x256xf32>
    %sub3A = arith.subf %get3A_4, %get3A_1 : vector<1024x256xf32>
    %add3A = arith.addf %get3A_1, %sub3A : vector<1024x256xf32>
    %convert_element_type3A = arith.truncf %add3A : vector<1024x256xf32> to vector<1024x256xbf16>
    %get3A_5 = arith.constant 0 : index
    %get3A_6 = arith.constant 0 : index
    %get3A_7 = vector.load %arg4[%get3A_5, %get3A_6] : memref<256x1024xbf16, #tpu.memory_space<vmem>>, vector<256x1024xbf16>
    %dot_general3A = arith.constant dense<0.000000e+00> : vector<1024x1024xf32>
    %dot_general3A_8 = tpu.matmul %convert_element_type3A, %get3A_7, %dot_general3A {dimension_numbers = #tpu.dot_dimension_numbers<[1], [0], [0], [1], [0, 0, 1, 1], [], []>, transpose_lhs_hint = false} : vector<1024x256xbf16>, vector<256x1024xbf16>, vector<1024x1024xf32> -> vector<1024x1024xf32>
    %get3A_9 = arith.constant 0 : index
    %get3A_10 = arith.constant 0 : index
    %get3A_11 = vector.load %arg1[%get3A_9, %get3A_10] : memref<1024x1024xf32, #tpu.memory_space<vmem>>, vector<1024x1024xf32>
    %sub3A_12 = arith.subf %dot_general3A_8, %get3A_11 : vector<1024x1024xf32>
    %sub3A_13 = arith.subf %get3A_4, %get3A_1 : vector<1024x256xf32>
    %mul3A = arith.mulf %sub3A_12, %sub3A_12 : vector<1024x1024xf32>
    %reduce_sum3A = vector.shape_cast %mul3A : vector<1024x1024xf32> to vector<1x1024x1024xf32>
    %reduce_sum3A_14 = arith.constant dense<0.000000e+00> : vector<1xf32>
    %reduce_sum3A_15 = vector.multi_reduction <add>, %reduce_sum3A, %reduce_sum3A_14 [1, 2] : vector<1x1024x1024xf32> to vector<1xf32>
    %reduce_sum3A_16 = vector.shape_cast %reduce_sum3A_15 : vector<1xf32> to vector<1x1x1xf32>
    %reduce_sum3A_17 = vector.extract %reduce_sum3A_16[0, 0, 0] : f32 from vector<1x1x1xf32>
    %broadcast_in_dim3A = vector.broadcast %reduce_sum3A_17 : f32 to vector<1x1x128xf32>
    %swap3A = arith.constant 0 : index
    %swap3A_18 = arith.constant 0 : index
    %swap3A_19 = arith.constant 0 : index
    %swap3A_20 = vector.load %arg5[%swap3A, %swap3A_18, %swap3A_19] : memref<1x1x128xf32, #tpu.memory_space<vmem>>, vector<1x1x128xf32>
    tpu.vector_store %arg5[%swap3A, %swap3A_18, %swap3A_19], %broadcast_in_dim3A {strides = array<i32>} : memref<1x1x128xf32, #tpu.memory_space<vmem>>, vector<1x1x128xf32>,
    %mul3A_21 = arith.mulf %sub3A_13, %sub3A_13 : vector<1024x256xf32>
    %reduce_sum3A_22 = vector.shape_cast %mul3A_21 : vector<1024x256xf32> to vector<1x1024x256xf32>
    %reduce_sum3A_23 = arith.constant dense<0.000000e+00> : vector<1xf32>
    %reduce_sum3A_24 = vector.multi_reduction <add>, %reduce_sum3A_22, %reduce_sum3A_23 [1, 2] : vector<1x1024x256xf32> to vector<1xf32>
    %reduce_sum3A_25 = vector.shape_cast %reduce_sum3A_24 : vector<1xf32> to vector<1x1x1xf32>
    %reduce_sum3A_26 = vector.extract %reduce_sum3A_25[0, 0, 0] : f32 from vector<1x1x1xf32>
    %broadcast_in_dim3A_27 = vector.broadcast %reduce_sum3A_26 : f32 to vector<1x1x128xf32>
    %swap3A_28 = arith.constant 0 : index
    %swap3A_29 = arith.constant 0 : index
    %swap3A_30 = arith.constant 0 : index
    %swap3A_31 = vector.load %arg6[%swap3A_28, %swap3A_29, %swap3A_30] : memref<1x1x128xf32, #tpu.memory_space<vmem>>, vector<1x1x128xf32>
    tpu.vector_store %arg6[%swap3A_28, %swap3A_29, %swap3A_30], %broadcast_in_dim3A_27 {strides = array<i32>} : memref<1x1x128xf32, #tpu.memory_space<vmem>>, vector<1x1x128xf32>,
    return
  }
  func.func @transform_0(%arg0: i32) -> (i32, i32) {
    %c0_i32 = arith.constant 0 : i32
    %c0_i32_0 = arith.constant 0 : i32
    return %arg0, %c0_i32 : i32, i32
  }
  func.func @transform_1(%arg0: i32) -> (i32, i32) {
    %c0_i32 = arith.constant 0 : i32
    %c0_i32_0 = arith.constant 0 : i32
    return %arg0, %c0_i32 : i32, i32
  }
  func.func @transform_2(%arg0: i32) -> (i32, i32) {
    %c0_i32 = arith.constant 0 : i32
    %c0_i32_0 = arith.constant 0 : i32
    return %arg0, %c0_i32 : i32, i32
  }
  func.func @transform_3(%arg0: i32) -> (i32, i32) {
    %c0_i32 = arith.constant 0 : i32
    %c0_i32_0 = arith.constant 0 : i32
    %c0_i32_1 = arith.constant 0 : i32
    return %c0_i32, %c0_i32_0 : i32, i32
  }
  func.func @transform_4(%arg0: i32) -> (i32, i32, i32) {
    %c0_i32 = arith.constant 0 : i32
    %c0_i32_0 = arith.constant 0 : i32
    %c0_i32_1 = arith.constant 0 : i32
    return %arg0, %c0_i32, %c0_i32_0 : i32, i32, i32
  }
  func.func @transform_5(%arg0: i32) -> (i32, i32, i32) {
    %c0_i32 = arith.constant 0 : i32
    %c0_i32_0 = arith.constant 0 : i32
    %c0_i32_1 = arith.constant 0 : i32
    return %arg0, %c0_i32, %c0_i32_0 : i32, i32, i32
  }
}

</mosaic_0001>

<sc_bundles>
// kernel: kernel.6.cloned.1.call-start
scs
__scs_entry_jumppad:
0x0: {  	(pc) =	sbr.rel $0x88, $3  }
0x1: {  	(tag) =	ssettag $0x0;
	lr =	simm.s32 $0x1  }
0x2: {  	[smem:$0x3F9E] =	sst lr;
	_ =	strace $0xD0000000  }
0x3: {  	_ = 	snop  }
0x4: {  	_ = 	snop  }
0x5: {  	_ = 	snop  }
0x6: {  	_ = 	snop  }
0x7: {  	_ = 	snop  }
__scs_overlays_trampoline_lowered:
0x8: {  	[smem:$0x3FAD] =	sst s0  }
0x9: {  	[smem:$0x3FAE] =	sst s1  }
0xa: {  	[smem:$0x3FAF] =	sst s2  }
0xb: {  	[smem:$0x3FB0] =	sst s3  }
0xc: {  	[smem:$0x3FB1] =	sst s4  }
0xd: {  	[smem:$0x3FB2] =	sst s5  }
0xe: {  	[smem:$0x3FB3] =	sst s6  }
0xf: {  	[smem:$0x3FB4] =	sst s7  }
0x10: {  	[smem:$0x3FB5] =	sst s8  }
0x11: {  	[smem:$0x3FB6] =	sst s9;
	s0 =	simm.s32 @!p0 $0x0  }
0x12: {  	s1 =	sld [smem:$0x3F9C];
	s0 =	simm.s32 @p0 $0x1  }
0x13: {  	[smem:$0x3FB7] =	sst s0;
	s0 =	simm.s32 @!p1 $0x0  }
0x14: {  	s2 =	sld [smem:$0x3F9B];
	s0 =	simm.s32 @p1 $0x1  }
0x15: {  	[smem:$0x3FB8] =	sst s0;
	s0 =	simm.s32 @!p2 $0x0  }
0x16: {  	s3 =	sld [smem:$0x3FDB];
	s0 =	simm.s32 @p2 $0x1  }
0x17: {  	s4 =	simm.s32 $0x1BF5;
	[smem:$0x3FBA] =	sst s0  }
0x18: {  	s0 =	sld [smem:$0x3F9D];
	_ =	swait.ge [sflag:s4], $0x0  }
0x19: {  	s7 =	sld [smem:$0x3F9E]  }
0x1a: {  	s8 =	sadd.s32 $0xFFFFE003, lr  }
0x1b: {  	s9 =	sadd.s32 $0xFFFFFEF7, lr;
	s5 =	simm.s32 $0xFFFFFFFF;
	p2 =	slt.u32 s8, $0xFFFFF086  }
0x1c: {  	p1 =	slt.u32 s9, $0xF7A;
	s5 =	simm.s32 @!p2 $0x0  }
0x1d: {  	s5 =	simm.s32 @p1 $0x1;
	p0 =	seq.s32 s7, s2  }
0x1e: {  	s7 =	smul.u32 @!p0 $0xF7A, s2;
	p2 =	seq.s32 @!p0 s5, $0x0  }
0x1f: {  	s9 =	smul.u32 $0xF7A, s1;
	s8 =	simm.s32 @!p0 $0x1BF5;
	p2 =	por !p2, p0  }
0x20: {  	[sflag:s8] =	ssyncset.s32 @!p0 $0xFFFFF086;
	s6 =	sadd.s32 @!p0 s3, s7;
	s7 =	simm.s32 @!p0 $0x108  }
0x21: {  	s3 =	sadd.s32 s3, s9;
	s6 =	sadd.s32 @!p0 $0x88, s6;
	s7 =	simm.s32 @p2 $0x1082  }
0x22: {  	[simem:s7], [sflag:s8] =	dma.local @!p0 [hbm:s6], $0xF7A  }
0x23: {  	s9 =	sor.u32 $0xD0000000, s2;
	s6 =	simm.s32 $0x108;
	_ =	swait.ge @!p0 [sflag:s8], $0x0  }
0x24: {  	s3 =	sadd.s32 $0x88, s3;
	s6 =	simm.s32 @!p1 $0x1082;
	[sflag:s4] =	ssyncset.s32 $0xFFFFF086  }
0x25: {  	[simem:s6], [sflag:s4] =	dma.local [hbm:s3], $0xF7A  }
0x26: {  	[smem:$0x3F9E] =	sst s1;
	(tag) =	ssettag s2;
	_ =	strace s9  }
0x27: {  	s1 =	sld [smem:$0x3FAE]  }
0x28: {  	s2 =	sld [smem:$0x3FAF]  }
0x29: {  	s4 =	sld [smem:$0x3FB1]  }
0x2a: {  	p0 =	seq.s32 s5, $0x0;
	s5 =	sld [smem:$0x3FB2]  }
0x2b: {  	s6 =	sld [smem:$0x3FB3]  }
0x2c: {  	s7 =	sld [smem:$0x3FB4]  }
0x2d: {  	s3 =	simm.s32 $0x108;
	s8 =	sld [smem:$0x3FB5]  }
0x2e: {  	s3 =	simm.s32 @!p0 $0x1082;
	s9 =	sld [smem:$0x3FB6]  }
0x2f: {  	lr =	sadd.s32 s0, s3;
	s0 =	sld [smem:$0x3FAD]  }
0x30: {  	s3 =	sld [smem:$0x3FB0]  }
0x31: {  	[smem:$0x3FB9] =	sst s10  }
0x32: {  	s10 =	sld [smem:$0x3FB7];
	_ =	sdelay $0x3  }
0x33: {  	p0 =	seq.s32 s10, $0x1;
	s10 =	sld [smem:$0x3FB9];
	_ =	sdelay $0x3  }
0x34: {  	[smem:$0x3FB9] =	sst s10  }
0x35: {  	s10 =	sld [smem:$0x3FB8];
	_ =	sdelay $0x3  }
0x36: {  	p1 =	seq.s32 s10, $0x1;
	s10 =	sld [smem:$0x3FB9];
	_ =	sdelay $0x3  }
0x37: {  	[smem:$0x3FB9] =	sst s10  }
0x38: {  	s10 =	sld [smem:$0x3FBA]  }
0x39: {  	_ = 	snop;
	(pc) =	sbr.ind lr, $3  }
0x3a: {  	_ = 	snop  }
0x3b: {  	_ = 	snop  }
0x3c: {  	p2 =	seq.s32 s10, $0x1;
	s10 =	sld [smem:$0x3FB9]  }
0x3d: {  	_ =	shalt  }
0x3e: {  	_ =	shalt  }
0x3f: {  	_ =	shalt  }
0x40: {  	_ =	shalt  }
0x41: {  	_ =	shalt  }
0x42: {  	_ =	shalt  }
0x43: {  	_ =	shalt  }
0x44: {  	_ =	shalt  }
0x45: {  	_ =	shalt  }
0x46: {  	_ =	shalt  }
0x47: {  	_ =	shalt  }
0x48: {  	_ =	shalt  }
0x49: {  	_ =	shalt  }
0x4a: {  	_ =	shalt  }
0x4b: {  	_ =	shalt  }
0x4c: {  	_ =	shalt  }
0x4d: {  	_ =	shalt  }
0x4e: {  	_ =	shalt  }
0x4f: {  	_ =	shalt  }
0x50: {  	_ =	shalt  }
0x51: {  	_ =	shalt  }
0x52: {  	_ =	shalt  }
0x53: {  	_ =	shalt  }
0x54: {  	_ =	shalt  }
0x55: {  	_ =	shalt  }
0x56: {  	_ =	shalt  }
0x57: {  	_ =	shalt  }
0x58: {  	_ =	shalt  }
0x59: {  	_ =	shalt  }
0x5a: {  	_ =	shalt  }
0x5b: {  	_ =	shalt  }
0x5c: {  	_ =	shalt  }
0x5d: {  	_ =	shalt  }
0x5e: {  	_ =	shalt  }
0x5f: {  	_ =	shalt  }
0x60: {  	_ =	shalt  }
0x61: {  	_ =	shalt  }
0x62: {  	_ =	shalt  }
0x63: {  	_ =	shalt  }
0x64: {  	_ =	shalt  }
0x65: {  	_ =	shalt  }
0x66: {  	_ =	shalt  }
0x67: {  	_ =	shalt  }
0x68: {  	_ =	shalt  }
0x69: {  	_ =	shalt  }
0x6a: {  	_ =	shalt  }
0x6b: {  	_ =	shalt  }
0x6c: {  	_ =	shalt  }
0x6d: {  	_ =	shalt  }
0x6e: {  	_ =	shalt  }
0x6f: {  	_ =	shalt  }
0x70: {  	_ =	shalt  }
0x71: {  	_ =	shalt  }
0x72: {  	_ =	shalt  }
0x73: {  	_ =	shalt  }
0x74: {  	_ =	shalt  }
0x75: {  	_ =	shalt  }
0x76: {  	_ =	shalt  }
0x77: {  	_ =	shalt  }
0x78: {  	_ =	shalt  }
0x79: {  	_ =	shalt  }
0x7a: {  	_ =	shalt  }
0x7b: {  	_ =	shalt  }
0x7c: {  	_ =	shalt  }
0x7d: {  	_ =	shalt  }
0x7e: {  	_ =	shalt  }
0x7f: {  	_ =	shalt  }
0x80: {  	_ =	shalt  }
0x81: {  	_ =	shalt  }
0x82: {  	_ =	shalt  }
0x83: {  	_ =	shalt  }
0x84: {  	_ =	shalt  }
0x85: {  	_ =	shalt  }
0x86: {  	_ =	shalt  }
0x87: {  	_ =	shalt  }
.Lfunc_end0:
.L_simem_size_0:
called_computation_lowered:
.L_overlay_start_0:
0x88: {  	s2 =	sld [smem:$0x3FD9]  }
0x89: {  	s3 =	sld [smem:$0x3FFE];
	_ =	sdelay $0x1  }
0x8a: {  	s1 =	srdreg.scid  }
0x8b: {  	s0 =	sand.u32 $0x1, s1  }
0x8c: {  	s15 =	sshll.u32 s0, $0xA;
	s2 =	sadd.s32 s3, s2  }
0x8d: {  	s2 =	sadd.s32 s2, s15  }
0x8e: {  	[smem:$0x3FC5] =	sst s2  }
0x8f: {  	_ = 	snop  }
0x90: {  	s2 =	sld [smem:$0x3FD0];
	_ =	sdelay $0x2  }
0x91: {  	s4 =	simm.s32 $0xA;
	s5 =	simm.s32 $0x10;
	s16 =	sld [smem:$0x3FC7]  }
0x92: {  	[smem:s5], [sflag:s4] =	dma.local [hbm:s2], $0x1  }
0x93: {  	_ =	swait.eq [sflag:s4], $0x1  }
0x94: {  	[sflag:s4] =	ssyncset.done $0x0  }
0x95: {  	s17 =	sld [smem:$0x13];
	[sflag:s4] =	ssyncadd.s32 $0xFFFFFFFF  }
0x96: {  	s18 =	sld [smem:$0x14];
	(tm) =	ssettm $0x1  }
0x97: {  	s19 =	sld [smem:$0x3FFB];
	_ =	sdelay $0x3  }
0x98: {  	_ =	strace s19  }
0x99: {  	s5 =	sld [smem:$0x3FFC];
	_ =	sdelay $0x3  }
0x9a: {  	_ =	strace s5  }
0x9b: {  	s5 =	sld [smem:$0x3FFD];
	_ =	sdelay $0x3  }
0x9c: {  	_ =	strace s5  }
0x9d: {  	_ =	strace $0x8FFFFFFF  }
0x9e: {  	s20 =	sld [smem:$0x3FDB];
	_ =	sdelay $0x1  }
0x9f: {  	s6 =	simm.s32 $_scs_section_size  }
0xa0: {  	s7 =	simm.s32 $_size__tile_overlayer_lowered;
	s8 =	simm.s32 $_tile_overlayer_lowered  }
0xa1: {  	s23 =	simm.s32 $0x1BFF;
	s22 =	sshll.u32 s8, $0x1;
	s5 =	sadd.s32 s6, s20  }
0xa2: {  	s9 =	simm.s32 $0x0;
	s21 =	sshll.u32 s7, $0x1;
	s7 =	sadd.s32 s22, s5  }
0xa3: {  	[timem:s9], [sflag:s23] =	dma.local [hbm:s7], s21  }
0xa4: {  	_ =	swait.ge [sflag:s23], s21  }
0xa5: {  	s6 =	ssub.s32 $0x0, s21;
	[sflag:s23] =	ssyncset.done $0x0  }
0xa6: {  	[sflag:s23] =	ssyncadd.s32 s6;
	_ =	sdelay $0x1  }
0xa7: {  	s24 =	simm.s32 $0x1B8B  }
0xa8: {  	_ =	swait.ge [sflag:s24], $0x1  }
0xa9: {  	[sflag:s24] =	ssyncset.done $0x0  }
0xaa: {  	s25 =	simm.s32 $0x1B8E;
	[sflag:s24] =	ssyncadd.s32 $0xFFFFFFFF  }
0xab: {  	s26 =	simm.s32 $execute0_lowered;
	[smem:$0x3FD2] =	sst s25  }
0xac: {  	s6 =	sshll.u32 s26, $0x1;
	_ =	strace $0x80000046;
	[dreg:$0x1] =	wrdreg $0xFFFFFFFF  }
0xad: {  	s28 =	simm.s32 $_size_execute0_lowered;
	s5 =	sadd.s32 s5, s6;
	[dreg:$0x0] =	wrdreg $0x0  }
0xae: {  	s6 =	sshll.u32 s28, $0x1;
	[dreg:$0x2] =	wrdreg s5  }
0xaf: {  	[dreg:$0x3] =	wrdreg s6  }
0xb0: {  	[dreg:$0x4] =	wrdreg $0xC0  }
0xb1: {  	_ =	task [dreg:s9], $0x5FFFF  }
0xb2: {  	[dreg:$0x1] =	wrdreg $0xFFFFFFFF  }
0xb3: {  	[dreg:$0x0] =	wrdreg $0x60  }
0xb4: {  	[dreg:$0x2] =	wrdreg s16  }
0xb5: {  	[dreg:$0x3] =	wrdreg s18  }
0xb6: {  	[dreg:$0x4] =	wrdreg s17  }
0xb7: {  	[dreg:$0x5] =	wrdreg $0x9  }
0xb8: {  	_ =	task.clear_ibuf [dreg:s9], $0x6FFFF;
	_ =	strace $0x90000046  }
0xb9: {  	s29 =	simm.s32 $0x9;
	_ =	strace $0x80000048  }
0xba: {  	_ =	swait.ge [sflag:s29], $0x1  }
0xbb: {  	[sflag:s29] =	ssyncadd.s32 $0xFFFFFFFF  }
0xbc: {  	_ =	strace $0x90000048  }
0xbd: {  	_ =	sfence  }
0xbe: {  	s30 =	sld [smem:$0x0];
	_ =	sdelay $0x2  }
0xbf: {  	s31 =	sshll.u32 s1, $0xD;
	s1 =	sshrl.u32 s1, $0x2  }
0xc0: {  	s3 =	sand.u32 $0x4000, s31;
	s1 =	sadd.s32 s1, s30  }
0xc1: {  	s0 =	sor.u32 s3, s0;
	s1 =	sshll.u32 s1, $0x11  }
0xc2: {  	s0 =	sor.u32 s1, s0  }
0xc3: {  	s0 =	sadd.s32 $0x8F2B, s0  }
0xc4: {  	[sflag:s0] =	ssyncadd.remote.s32 $0x1  }
0xc5: {  	_ =	sfence.sel $0xFFFF  }
0xc6: {  	[dreg:$0x0] =	wrdreg $0xFFFFFFFF;
	(pc) =	sbr.abs _section_cstart, $3  }
0xc7: {  	[dreg:$0x1] =	wrdreg $0xFFFFFFFF  }
0xc8: {  	_ =	task.clear_ibuf [dreg:s9], $0x2FFFF;
	_ =	strace $0x9FFFFFFF  }
0xc9: {  	(tm) =	ssettm $0x7FFFFFFF  }
tec
execute0_lowered:
.L_overlay_start_1:
0x0: {  	(tag) =	ssettag $0x1  }
0x1: {  	s1 =	rddreg [dreg:$0x0];
	s2 =	srdreg.scid  }
0x2: {  	s4 =	rddreg [dreg:$0x1];
	s0 =	stileid.u32  }
0x3: {  	s5 =	rddreg [dreg:$0x2];
	s3 =	simm.s32 $0x0;
	s17 =	simm.s32 $0x900  }
0x4: {  	s18 =	simm.s32 $0x1100;
	s19 =	simm.s32 $0x1900;
	s20 =	simm.s32 $0x2100  }
0x5: {  	s21 =	simm.s32 $0x2900;
	s23 =	simm.s32 $0x3100;
	[smem:$0x7FF] =	sst s3  }
0x6: {  	s24 =	simm.s32 $0x3900;
	_ =	strace $0x80000047;
	[dreg:$0x8] =	wrdreg s17  }
0x7: {  	s25 =	simm.s32 $0x4100;
	s26 =	simm.s32 $0x4900;
	[dreg:$0x9] =	wrdreg s18  }
0x8: {  	s10 =	simm.s32 $0x6900;
	s11 =	simm.s32 $0x7100;
	[dreg:$0xa] =	wrdreg s19  }
0x9: {  	s12 =	simm.s32 $0x7900;
	s13 =	simm.s32 $0x80;
	[dreg:$0xb] =	wrdreg s20  }
0xa: {  	s28 =	simm.s32 $0xE900;
	s29 =	simm.s32 $0xF100;
	[dreg:$0xc] =	wrdreg s21  }
0xb: {  	s30 =	simm.s32 $0xF900;
	s31 =	simm.s32 $0x1;
	[dreg:$0xd] =	wrdreg s23  }
0xc: {  	s2 =	sand.u32 $0x1, s2;
	s6 =	sshll.u32 s0, $0x9;
	[dreg:$0xe] =	wrdreg s24  }
0xd: {  	s7 =	sshll.u32 s2, $0x8;
	s2 =	ssub.s32 $0x2, s2;
	[dreg:$0xf] =	wrdreg s25  }
0xe: {  	[dreg:$0x10] =	wrdreg s26;
	s17 =	simm.s32 $0x9900;
	s18 =	simm.s32 $0xA100  }
0xf: {  	s19 =	simm.s32 $0xA900;
	s20 =	simm.s32 $0xB100;
	s21 =	simm.s32 $0xB900  }
0x10: {  	s23 =	simm.s32 $0xC900;
	s24 =	simm.s32 $0xD100;
	s25 =	simm.s32 $0xD900  }
0x11: {  	s26 =	simm.s32 $0xE100;
	s6 =	sor.u32 s7, s6;
	s22 =	sshrl.u32 s2, $0x1  }
0x12: {  	s7 =	sshrl.u32 s6, $0x3;
	s8 =	sor.u32 $0x80, s6;
	s6 =	sshll.u32 s6, $0x5  }
0x13: {  	s2 =	ssub.s32 s2, s22;
	s22 =	simm.s32 $0xC100;
	s7 =	sadd.s32 s4, s7  }
0x14: {  	s9 =	sshrl.u32 s8, $0x3;
	s14 =	sadd.s32 s5, s6;
	s15 =	sshll.u32 s8, $0x5  }
0x15: {  	s6 =	simm.s32 $0x100;
	s8 =	simm.s32 $0x5900;
	[dreg:$0x4] =	wrdreg s7  }
0x16: {  	s4 =	sadd.s32 s4, s9;
	[dreg:$0x6] =	wrdreg s14;
	s16 =	sadd.s32 s5, s15  }
0x17: {  	v2 =	vlaneseq.u32;
	s5 =	simm.s32 $0x3;
	s9 =	simm.s32 $0x6100;
	[dreg:$0x5] =	wrdreg s4  }
0x18: {  	vm0 =	vmmov $0xffff;
	v1 =	vshrl.u32 v2, $0x3;
	s14 =	simm.s32 $0x8100;
	s15 =	simm.s32 $0x8900;
	[dreg:$0x7] =	wrdreg s16  }
0x19: {  	v0 =	vand.u32 $0x7, v2;
	v2 =	vor.u32 $0x8, v2;
	v1 =	vmul.u32 $0x8, v1;
	s4 =	smax.u32 s2, $0x1;
	s16 =	simm.s32 $0x9100;
	s2 =	simm.s32 $0x2  }
.LBB2_1:
0x1a: {  	s0 =	rddreg [dreg:$0x4]  }
0x1b: {  	[tilespmem:s3], [sflag:$0x3] =	stream.linear.gather [hbm4b:s0+s3], $0x80, $0x38;
	[tilespmem:$0x10100] =	vst v63  }
0x1c: {  	_ =	swait.ge [sflag:s5], $0x80  }
0x1d: {  	[sflag:s5] =	ssyncset.done $0x0  }
0x1e: {  	[sflag:s5] =	ssyncadd.s32 $0xFFFFFF80  }
0x1f: {  	v3 =	vld [tilespmem:$0x0];
	_ =	sdelay $0x4  }
0x20: {  	v4 =	vshll.u32 v3, $0x1  }
0x21: {  	v3 =	vand.u32 $0x7, v3;
	v4 =	vand.u32 $0xFFFFFFF0, v4  }
0x22: {  	v3 =	vor.u32 v3, v4  }
0x23: {  	v4 =	vperm.xlane v3, v0;
	_ =	sdelay $0x1  }
0x24: {  	v3 =	vperm.xlane v3, v2;
	v4 =	vadd.s32 v1, v4;
	_ =	sdelay $0x1  }
0x25: {  	v3 =	vadd.s32 v1, v3;
	_ =	sdelay $0x2  }
0x26: {  	[tilespmem:s6], [sflag:$0x1] =	stream.indirect_vreg.gather [hbm4b:s1+s3], $0x80, v4, vm0, $0xb8;
	[tilespmem:$0x10100] =	vst v63  }
0x27: {  	s7 =	rddreg [dreg:$0x8]  }
0x28: {  	[tilespmem:s7], [sflag:$0x1] =	stream.indirect_vreg.gather [hbm4b:s1+s3], $0x80, v3, vm0, $0xb8;
	[tilespmem:$0x10100] =	vst v63  }
0x29: {  	v3 =	vld [tilespmem:$0x10];
	_ =	sdelay $0x4  }
0x2a: {  	v49 =	vshll.u32 v3, $0x1  }
0x2b: {  	v3 =	vand.u32 $0x7, v3;
	v4 =	vand.u32 $0xFFFFFFF0, v49  }
0x2c: {  	v3 =	vor.u32 v3, v4  }
0x2d: {  	v4 =	vperm.xlane v3, v0;
	_ =	sdelay $0x1  }
0x2e: {  	v3 =	vperm.xlane v3, v2;
	v4 =	vadd.s32 v1, v4;
	_ =	sdelay $0x1  }
0x2f: {  	v3 =	vadd.s32 v1, v3;
	_ =	sdelay $0x1  }
0x30: {  	s0 =	rddreg [dreg:$0x9]  }
0x31: {  	[tilespmem:s0], [sflag:$0x1] =	stream.indirect_vreg.gather [hbm4b:s1+s3], $0x80, v4, vm0, $0xb8;
	[tilespmem:$0x10100] =	vst v63  }
0x32: {  	s7 =	rddreg [dreg:$0xa]  }
0x33: {  	[tilespmem:s7], [sflag:$0x1] =	stream.indirect_vreg.gather [hbm4b:s1+s3], $0x80, v3, vm0, $0xb8;
	[tilespmem:$0x10100] =	vst v63  }
0x34: {  	v3 =	vld [tilespmem:$0x20];
	_ =	sdelay $0x4  }
0x35: {  	v50 =	vshll.u32 v3, $0x1  }
0x36: {  	v3 =	vand.u32 $0x7, v3;
	v4 =	vand.u32 $0xFFFFFFF0, v50  }
0x37: {  	v3 =	vor.u32 v3, v4  }
0x38: {  	v4 =	vperm.xlane v3, v0;
	_ =	sdelay $0x1  }
0x39: {  	v3 =	vperm.xlane v3, v2;
	v4 =	vadd.s32 v1, v4;
	_ =	sdelay $0x1  }
0x3a: {  	v3 =	vadd.s32 v1, v3;
	_ =	sdelay $0x1  }
0x3b: {  	s0 =	rddreg [dreg:$0xb]  }
0x3c: {  	[tilespmem:s0], [sflag:$0x1] =	stream.indirect_vreg.gather [hbm4b:s1+s3], $0x80, v4, vm0, $0xb8;
	[tilespmem:$0x10100] =	vst v63  }
0x3d: {  	s7 =	rddreg [dreg:$0xc]  }
0x3e: {  	[tilespmem:s7], [sflag:$0x1] =	stream.indirect_vreg.gather [hbm4b:s1+s3], $0x80, v3, vm0, $0xb8;
	[tilespmem:$0x10100] =	vst v63  }
0x3f: {  	v3 =	vld [tilespmem:$0x30];
	_ =	sdelay $0x4  }
0x40: {  	v51 =	vshll.u32 v3, $0x1  }
0x41: {  	v3 =	vand.u32 $0x7, v3;
	v4 =	vand.u32 $0xFFFFFFF0, v51  }
0x42: {  	v3 =	vor.u32 v3, v4  }
0x43: {  	v4 =	vperm.xlane v3, v0;
	_ =	sdelay $0x1  }
0x44: {  	v3 =	vperm.xlane v3, v2;
	v4 =	vadd.s32 v1, v4;
	_ =	sdelay $0x1  }
0x45: {  	v3 =	vadd.s32 v1, v3;
	_ =	sdelay $0x1  }
0x46: {  	s0 =	rddreg [dreg:$0xd]  }
0x47: {  	[tilespmem:s0], [sflag:$0x1] =	stream.indirect_vreg.gather [hbm4b:s1+s3], $0x80, v4, vm0, $0xb8;
	[tilespmem:$0x10100] =	vst v63  }
0x48: {  	s7 =	rddreg [dreg:$0xe]  }
0x49: {  	[tilespmem:s7], [sflag:$0x1] =	stream.indirect_vreg.gather [hbm4b:s1+s3], $0x80, v3, vm0, $0xb8;
	[tilespmem:$0x10100] =	vst v63  }
0x4a: {  	v3 =	vld [tilespmem:$0x40];
	_ =	sdelay $0x4  }
0x4b: {  	v52 =	vshll.u32 v3, $0x1  }
0x4c: {  	v3 =	vand.u32 $0x7, v3;
	v4 =	vand.u32 $0xFFFFFFF0, v52  }
0x4d: {  	v3 =	vor.u32 v3, v4  }
0x4e: {  	v4 =	vperm.xlane v3, v0;
	_ =	sdelay $0x1  }
0x4f: {  	v3 =	vperm.xlane v3, v2;
	v4 =	vadd.s32 v1, v4;
	_ =	sdelay $0x1  }
0x50: {  	v3 =	vadd.s32 v1, v3;
	_ =	sdelay $0x1  }
0x51: {  	s0 =	rddreg [dreg:$0xf]  }
0x52: {  	[tilespmem:s0], [sflag:$0x1] =	stream.indirect_vreg.gather [hbm4b:s1+s3], $0x80, v4, vm0, $0xb8;
	[tilespmem:$0x10100] =	vst v63  }
0x53: {  	s7 =	rddreg [dreg:$0x10]  }
0x54: {  	[tilespmem:s7], [sflag:$0x1] =	stream.indirect_vreg.gather [hbm4b:s1+s3], $0x80, v3, vm0, $0xb8;
	[tilespmem:$0x10100] =	vst v63  }
0x55: {  	v3 =	vld [tilespmem:$0x50];
	_ =	sdelay $0x4  }
0x56: {  	v53 =	vshll.u32 v3, $0x1  }
0x57: {  	v3 =	vand.u32 $0x7, v3;
	v4 =	vand.u32 $0xFFFFFFF0, v53  }
0x58: {  	v3 =	vor.u32 v3, v4  }
0x59: {  	v4 =	vperm.xlane v3, v0;
	_ =	sdelay $0x1  }
0x5a: {  	v3 =	vperm.xlane v3, v2;
	v4 =	vadd.s32 v1, v4;
	_ =	sdelay $0x1  }
0x5b: {  	v3 =	vadd.s32 v1, v3;
	_ =	sdelay $0x1  }
0x5c: {  	s7 =	simm.s32 $0x5100  }
0x5d: {  	[tilespmem:s7], [sflag:$0x1] =	stream.indirect_vreg.gather [hbm4b:s1+s3], $0x80, v4, vm0, $0xb8;
	[tilespmem:$0x10100] =	vst v63  }
0x5e: {  	_ = 	snop  }
0x5f: {  	[tilespmem:s8], [sflag:$0x1] =	stream.indirect_vreg.gather [hbm4b:s1+s3], $0x80, v3, vm0, $0xb8;
	[tilespmem:$0x10100] =	vst v63  }
0x60: {  	v3 =	vld [tilespmem:$0x60];
	_ =	sdelay $0x4  }
0x61: {  	v54 =	vshll.u32 v3, $0x1  }
0x62: {  	v3 =	vand.u32 $0x7, v3;
	v4 =	vand.u32 $0xFFFFFFF0, v54  }
0x63: {  	v3 =	vor.u32 v3, v4  }
0x64: {  	v4 =	vperm.xlane v3, v0;
	_ =	sdelay $0x1  }
0x65: {  	v3 =	vperm.xlane v3, v2;
	v4 =	vadd.s32 v1, v4;
	_ =	sdelay $0x1  }
0x66: {  	v3 =	vadd.s32 v1, v3;
	_ =	sdelay $0x2  }
0x67: {  	[tilespmem:s9], [sflag:$0x1] =	stream.indirect_vreg.gather [hbm4b:s1+s3], $0x80, v4, vm0, $0xb8;
	[tilespmem:$0x10100] =	vst v63  }
0x68: {  	_ = 	snop  }
0x69: {  	[tilespmem:s10], [sflag:$0x1] =	stream.indirect_vreg.gather [hbm4b:s1+s3], $0x80, v3, vm0, $0xb8;
	[tilespmem:$0x10100] =	vst v63  }
0x6a: {  	v3 =	vld [tilespmem:$0x70];
	_ =	sdelay $0x4  }
0x6b: {  	v55 =	vshll.u32 v3, $0x1  }
0x6c: {  	v3 =	vand.u32 $0x7, v3;
	v4 =	vand.u32 $0xFFFFFFF0, v55  }
0x6d: {  	v3 =	vor.u32 v3, v4  }
0x6e: {  	v4 =	vperm.xlane v3, v0;
	_ =	sdelay $0x1  }
0x6f: {  	v3 =	vperm.xlane v3, v2;
	v4 =	vadd.s32 v1, v4;
	_ =	sdelay $0x1  }
0x70: {  	v3 =	vadd.s32 v1, v3;
	_ =	sdelay $0x2  }
0x71: {  	[tilespmem:s11], [sflag:$0x1] =	stream.indirect_vreg.gather [hbm4b:s1+s3], $0x80, v4, vm0, $0xb8;
	[tilespmem:$0x10100] =	vst v63  }
0x72: {  	_ = 	snop  }
0x73: {  	[tilespmem:s12], [sflag:$0x1] =	stream.indirect_vreg.gather [hbm4b:s1+s3], $0x80, v3, vm0, $0xb8;
	[tilespmem:$0x10100] =	vst v63  }
0x74: {  	s7 =	rddreg [dreg:$0x5]  }
0x75: {  	[tilespmem:s13], [sflag:$0x3] =	stream.linear.gather [hbm4b:s7+s3], $0x80, $0x38;
	[tilespmem:$0x10100] =	vst v63  }
0x76: {  	_ =	swait.ge [sflag:s5], $0x80  }
0x77: {  	[sflag:s5] =	ssyncset.done $0x0  }
0x78: {  	[sflag:s5] =	ssyncadd.s32 $0xFFFFFF80  }
0x79: {  	v3 =	vld [tilespmem:$0x80];
	_ =	sdelay $0x4  }
0x7a: {  	v56 =	vshll.u32 v3, $0x1  }
0x7b: {  	v3 =	vand.u32 $0x7, v3;
	v4 =	vand.u32 $0xFFFFFFF0, v56  }
0x7c: {  	v3 =	vor.u32 v3, v4  }
0x7d: {  	v4 =	vperm.xlane v3, v0;
	_ =	sdelay $0x1  }
0x7e: {  	v3 =	vperm.xlane v3, v2;
	v4 =	vadd.s32 v1, v4;
	_ =	sdelay $0x1  }
0x7f: {  	v3 =	vadd.s32 v1, v3;
	_ =	sdelay $0x2  }
0x80: {  	[tilespmem:s14], [sflag:$0x2] =	stream.indirect_vreg.gather [hbm4b:s1+s3], $0x80, v4, vm0, $0xb8;
	[tilespmem:$0x10100] =	vst v63  }
0x81: {  	_ = 	snop  }
0x82: {  	[tilespmem:s15], [sflag:$0x2] =	stream.indirect_vreg.gather [hbm4b:s1+s3], $0x80, v3, vm0, $0xb8;
	[tilespmem:$0x10100] =	vst v63  }
0x83: {  	v3 =	vld [tilespmem:$0x90];
	_ =	sdelay $0x4  }
0x84: {  	v57 =	vshll.u32 v3, $0x1  }
0x85: {  	v3 =	vand.u32 $0x7, v3;
	v4 =	vand.u32 $0xFFFFFFF0, v57  }
0x86: {  	v3 =	vor.u32 v3, v4  }
0x87: {  	v4 =	vperm.xlane v3, v0;
	_ =	sdelay $0x1  }
0x88: {  	v3 =	vperm.xlane v3, v2;
	v4 =	vadd.s32 v1, v4;
	_ =	sdelay $0x1  }
0x89: {  	v3 =	vadd.s32 v1, v3;
	_ =	sdelay $0x2  }
0x8a: {  	[tilespmem:s16], [sflag:$0x2] =	stream.indirect_vreg.gather [hbm4b:s1+s3], $0x80, v4, vm0, $0xb8;
	[tilespmem:$0x10100] =	vst v63  }
0x8b: {  	_ = 	snop  }
0x8c: {  	[tilespmem:s17], [sflag:$0x2] =	stream.indirect_vreg.gather [hbm4b:s1+s3], $0x80, v3, vm0, $0xb8;
	[tilespmem:$0x10100] =	vst v63  }
0x8d: {  	v3 =	vld [tilespmem:$0xA0];
	_ =	sdelay $0x4  }
0x8e: {  	v58 =	vshll.u32 v3, $0x1  }
0x8f: {  	v3 =	vand.u32 $0x7, v3;
	v4 =	vand.u32 $0xFFFFFFF0, v58  }
0x90: {  	v3 =	vor.u32 v3, v4  }
0x91: {  	v4 =	vperm.xlane v3, v0;
	_ =	sdelay $0x1  }
0x92: {  	v3 =	vperm.xlane v3, v2;
	v4 =	vadd.s32 v1, v4;
	_ =	sdelay $0x1  }
0x93: {  	v3 =	vadd.s32 v1, v3;
	_ =	sdelay $0x2  }
0x94: {  	[tilespmem:s18], [sflag:$0x2] =	stream.indirect_vreg.gather [hbm4b:s1+s3], $0x80, v4, vm0, $0xb8;
	[tilespmem:$0x10100] =	vst v63  }
0x95: {  	_ = 	snop  }
0x96: {  	[tilespmem:s19], [sflag:$0x2] =	stream.indirect_vreg.gather [hbm4b:s1+s3], $0x80, v3, vm0, $0xb8;
	[tilespmem:$0x10100] =	vst v63  }
0x97: {  	v3 =	vld [tilespmem:$0xB0];
	_ =	sdelay $0x4  }
0x98: {  	v59 =	vshll.u32 v3, $0x1  }
0x99: {  	v3 =	vand.u32 $0x7, v3;
	v4 =	vand.u32 $0xFFFFFFF0, v59  }
0x9a: {  	v3 =	vor.u32 v3, v4  }
0x9b: {  	v4 =	vperm.xlane v3, v0;
	_ =	sdelay $0x1  }
0x9c: {  	v3 =	vperm.xlane v3, v2;
	v4 =	vadd.s32 v1, v4;
	_ =	sdelay $0x1  }
0x9d: {  	v3 =	vadd.s32 v1, v3;
	_ =	sdelay $0x2  }
0x9e: {  	[tilespmem:s20], [sflag:$0x2] =	stream.indirect_vreg.gather [hbm4b:s1+s3], $0x80, v4, vm0, $0xb8;
	[tilespmem:$0x10100] =	vst v63  }
0x9f: {  	_ = 	snop  }
0xa0: {  	[tilespmem:s21], [sflag:$0x2] =	stream.indirect_vreg.gather [hbm4b:s1+s3], $0x80, v3, vm0, $0xb8;
	[tilespmem:$0x10100] =	vst v63  }
0xa1: {  	v3 =	vld [tilespmem:$0xC0];
	_ =	sdelay $0x4  }
0xa2: {  	v60 =	vshll.u32 v3, $0x1  }
0xa3: {  	v3 =	vand.u32 $0x7, v3;
	v4 =	vand.u32 $0xFFFFFFF0, v60  }
0xa4: {  	v3 =	vor.u32 v3, v4  }
0xa5: {  	v4 =	vperm.xlane v3, v0;
	_ =	sdelay $0x1  }
0xa6: {  	v3 =	vperm.xlane v3, v2;
	v4 =	vadd.s32 v1, v4;
	_ =	sdelay $0x1  }
0xa7: {  	v3 =	vadd.s32 v1, v3;
	_ =	sdelay $0x2  }
0xa8: {  	[tilespmem:s22], [sflag:$0x2] =	stream.indirect_vreg.gather [hbm4b:s1+s3], $0x80, v4, vm0, $0xb8;
	[tilespmem:$0x10100] =	vst v63  }
0xa9: {  	_ = 	snop  }
0xaa: {  	[tilespmem:s23], [sflag:$0x2] =	stream.indirect_vreg.gather [hbm4b:s1+s3], $0x80, v3, vm0, $0xb8;
	[tilespmem:$0x10100] =	vst v63  }
0xab: {  	v3 =	vld [tilespmem:$0xD0];
	_ =	sdelay $0x4  }
0xac: {  	v61 =	vshll.u32 v3, $0x1  }
0xad: {  	v3 =	vand.u32 $0x7, v3;
	v4 =	vand.u32 $0xFFFFFFF0, v61  }
0xae: {  	v3 =	vor.u32 v3, v4  }
0xaf: {  	v4 =	vperm.xlane v3, v0;
	_ =	sdelay $0x1  }
0xb0: {  	v3 =	vperm.xlane v3, v2;
	v4 =	vadd.s32 v1, v4;
	_ =	sdelay $0x1  }
0xb1: {  	v3 =	vadd.s32 v1, v3;
	_ =	sdelay $0x2  }
0xb2: {  	[tilespmem:s24], [sflag:$0x2] =	stream.indirect_vreg.gather [hbm4b:s1+s3], $0x80, v4, vm0, $0xb8;
	[tilespmem:$0x10100] =	vst v63  }
0xb3: {  	_ = 	snop  }
0xb4: {  	[tilespmem:s25], [sflag:$0x2] =	stream.indirect_vreg.gather [hbm4b:s1+s3], $0x80, v3, vm0, $0xb8;
	[tilespmem:$0x10100] =	vst v63  }
0xb5: {  	v3 =	vld [tilespmem:$0xE0];
	_ =	sdelay $0x4  }
0xb6: {  	v62 =	vshll.u32 v3, $0x1  }
0xb7: {  	v3 =	vand.u32 $0x7, v3;
	v4 =	vand.u32 $0xFFFFFFF0, v62  }
0xb8: {  	v3 =	vor.u32 v3, v4  }
0xb9: {  	v4 =	vperm.xlane v3, v0;
	_ =	sdelay $0x1  }
0xba: {  	v3 =	vperm.xlane v3, v2;
	v4 =	vadd.s32 v1, v4;
	_ =	sdelay $0x1  }
0xbb: {  	v3 =	vadd.s32 v1, v3;
	_ =	sdelay $0x2  }
0xbc: {  	[tilespmem:s26], [sflag:$0x2] =	stream.indirect_vreg.gather [hbm4b:s1+s3], $0x80, v4, vm0, $0xb8;
	[tilespmem:$0x10100] =	vst v63  }
0xbd: {  	_ = 	snop  }
0xbe: {  	[tilespmem:s28], [sflag:$0x2] =	stream.indirect_vreg.gather [hbm4b:s1+s3], $0x80, v3, vm0, $0xb8;
	[tilespmem:$0x10100] =	vst v63  }
0xbf: {  	v3 =	vld [tilespmem:$0xF0];
	_ =	sdelay $0x4  }
0xc0: {  	v63 =	vshll.u32 v3, $0x1  }
0xc1: {  	v3 =	vand.u32 $0x7, v3;
	v4 =	vand.u32 $0xFFFFFFF0, v63  }
0xc2: {  	v3 =	vor.u32 v3, v4  }
0xc3: {  	v4 =	vperm.xlane v3, v0;
	_ =	sdelay $0x1  }
0xc4: {  	v3 =	vperm.xlane v3, v2;
	v4 =	vadd.s32 v1, v4;
	_ =	sdelay $0x1  }
0xc5: {  	v3 =	vadd.s32 v1, v3;
	_ =	sdelay $0x2  }
0xc6: {  	[tilespmem:s29], [sflag:$0x2] =	stream.indirect_vreg.gather [hbm4b:s1+s3], $0x80, v4, vm0, $0xb8;
	[tilespmem:$0x10100] =	vst v63  }
0xc7: {  	_ = 	snop  }
0xc8: {  	[tilespmem:s30], [sflag:$0x2] =	stream.indirect_vreg.gather [hbm4b:s1+s3], $0x80, v3, vm0, $0xb8;
	[tilespmem:$0x10100] =	vst v63  }
0xc9: {  	_ =	swait.ge [sflag:s31], $0x8000  }
0xca: {  	[sflag:s31] =	ssyncset.done $0x0  }
0xcb: {  	s7 =	rddreg [dreg:$0x6];
	[sflag:s31] =	ssyncadd.s32 $0xFFFF8000  }
0xcc: {  	[hbm4b:s7+s3] =	stream.linear.scatter [tilespmem:s6], [sflag:$0x3], $0x8000, $0x38;
	[tilespmem:$0x10100] =	vst v63  }
0xcd: {  	_ =	swait.ge [sflag:s5], $0x8000  }
0xce: {  	[sflag:s5] =	ssyncset.done $0x0  }
0xcf: {  	[sflag:s5] =	ssyncadd.s32 $0xFFFF8000  }
0xd0: {  	_ =	swait.ge [sflag:s2], $0x8000  }
0xd1: {  	p0 =	sne.s32 s4, $0x1;
	[sflag:s2] =	ssyncset.done $0x0  }
.Ltmp0:
0xd2: {  	s7 =	rddreg [dreg:$0x7];
	[sflag:s2] =	ssyncadd.s32 $0xFFFF8000;
	(pc) =	sbr.rel @p0 .LBB2_1-.Ltmp0, $4  }
0xd3: {  	[hbm4b:s7+s3] =	stream.linear.scatter [tilespmem:s14], [sflag:$0x3], $0x8000, $0x38;
	[tilespmem:$0x10100] =	vst v63  }
0xd4: {  	_ =	swait.ge [sflag:s5], $0x8000  }
0xd5: {  	[sflag:s5] =	ssyncset.done $0x0  }
0xd6: {  	s4 =	sadd.s32 $0xFFFFFFFF, s4;
	[sflag:s5] =	ssyncadd.s32 $0xFFFF8000  }
0xd7: {  	_ =	sfence.sel $0x180000  }
0xd8: {  	[bflag:$0x0] =	sbarrier.arrive $0xFFFF  }
0xd9: {  	_ =	strace $0x90000047  }
0xda: {  	s0 =	stileid.u32;
	[bflag:$0x2] =	sbarrier.arrive $0xFFFF  }
0xdb: {  	p0 =	sne.s32 s0, $0x0;
	s0 =	rddreg [dreg:$0x3]  }
0xdc: {  	s0 =	sadd.s32 @!p0 $0x100000, s0  }
0xdd: {  	[sflag:s0] =	ssyncadd.tile.s32 @!p0 $0x1;
	_ =	shalt  }
.Lfunc_end2:
_tile_overlayer_lowered:
.L_overlay_start_2:
0xde: {  	(tag) =	ssettag $0x2  }
0xdf: {  	s0 =	rddreg [dreg:$0x0];
	s2 =	stileid.u32  }
0xe0: {  	s1 =	rddreg [dreg:$0x1];
	p0 =	sne.s32 s2, $0x0  }
0xe1: {  	s3 =	rddreg [dreg:$0x2];
	[bflag:$0x3] =	sbarrier.arrive $0xFFFF;
	s2 =	simm.s32 @!p0 $0x1C03  }
0xe2: {  	[timem:s3], [sflag:s2] =	dma.local @!p0 [hbm:s0], s1  }
0xe3: {  	s0 =	simm.s32 @!p0 $0x3  }
0xe4: {  	_ =	swait.ge @!p0 [sflag:s0], s1  }
0xe5: {  	s1 =	ssub.s32 @!p0 $0x0, s1;
	[sflag:s0] =	ssyncset.done @!p0 $0x0  }
0xe6: {  	[sflag:s0] =	ssyncadd.s32 @!p0 s1  }
0xe7: {  	[bflag:$0x3] =	sbarrier.arrive $0xFFFF  }
0xe8: {  	_ =	shalt  }

</sc_bundles>
